<compile_context>
chip_gen: v7x
topology: tpu7x:2x2x1
jax: 0.10.2.dev20260603
libtpu: 0.0.44.dev20260713+nightly
codegen_flags: <defaults>
</compile_context>

<pallas_src>
import jax
import jax.numpy as jnp
from jax import lax
from jax.experimental import pallas as pl
from jax.experimental.pallas import tpu as pltpu
from jax.experimental.pallas import tpu_sc as plsc

N = 8192
K = 8
NC = 2
NS = 16
L = 16
CHUNK = N // NS
NV = CHUNK // L
RW = 2 * L

NEG = float("-inf")
BIG = 0x3FFFFFFF

_DNUMS = lax.GatherDimensionNumbers(
    offset_dims=(), collapsed_slice_dims=(0,), start_index_map=(0,))


def _shuf(v, idx):
    return lax.gather(v, idx[:, None], _DNUMS, (1,),
                      mode=lax.GatherScatterMode.PROMISE_IN_BOUNDS)


def _bfly(v, op, iota):
    for k in (1, 2, 4, 8):
        v = op(v, _shuf(v, iota ^ k))
    return v


def _body_sc(x1_hbm, x2_hbm, t1_hbm, t2_hbm,
             ab_v, comb_sh, comb_loc, row_c, row_t, anchor_v, anchor_f,
             sem0, sem1, sem2, sem3):
    c = lax.axis_index("c")
    s = lax.axis_index("s")
    base = s * CHUNK
    coff = 0
    iota = lax.iota(jnp.int32, L)
    negv = jnp.full((L,), NEG, jnp.float32)
    lane0 = iota == 0

    ca = pltpu.async_copy(t1_hbm, anchor_v.at[pl.ds(0, K)], sem0)
    cb = pltpu.async_copy(t2_hbm, anchor_v.at[pl.ds(K, K)], sem1)
    c1 = pltpu.async_copy(x1_hbm.at[pl.ds(0, K)], anchor_f.at[pl.ds(0, K)],
                          sem2)
    c2 = pltpu.async_copy(x2_hbm.at[pl.ds(0, K)], anchor_f.at[pl.ds(K, K)],
                          sem3)

    @pl.when(c == 0)
    def _in1():
        pltpu.sync_copy(x1_hbm.at[pl.ds(base, CHUNK)],
                        ab_v.at[pl.ds(0, CHUNK)])

    @pl.when(c == 1)
    def _in2():
        pltpu.sync_copy(x2_hbm.at[pl.ds(base, CHUNK)],
                        ab_v.at[pl.ds(0, CHUNK)])

    ca.wait()
    cb.wait()
    c1.wait()
    c2.wait()

    def round_step(r, carry):
        res_v, res_i = carry

        def sweep(j, sc):
            bv, bi = sc
            for u in range(4):
                off = L * (4 * j + u)
                v = ab_v[pl.ds(coff + off, L)]
                m = v > bv
                bv = jnp.where(m, v, bv)
                bi = jnp.where(m, iota + off, bi)
            return bv, bi

        bv, bi = lax.fori_loop(
            0, NV // 4, sweep,
            (jnp.full((L,), NEG, jnp.float32),
             jnp.full((L,), BIG, jnp.int32)))
        gv = _bfly(bv, jnp.maximum, iota)
        gi = _bfly(jnp.where(bv == gv, bi, BIG), jnp.minimum, iota)
        res_v = jnp.where(iota == r, gv, res_v)
        res_i = jnp.where(iota == r, gi, res_i)
        plsc.store_scatter(ab_v, [gi + coff], negv, mask=lane0)
        return res_v, res_i

    res_v, res_i = lax.fori_loop(
        0, K, round_step,
        (jnp.full((L,), NEG, jnp.float32), jnp.full((L,), BIG, jnp.int32)))

    row_c[pl.ds(0, L)] = res_v
    row_c[pl.ds(L, L)] = plsc.bitcast(res_i + base, jnp.float32)
    pltpu.sync_copy(row_c, comb_sh.at[pl.ds(s * RW, RW)])
    plsc.subcore_barrier()
    pltpu.sync_copy(comb_sh, comb_loc)

    @pl.when(s == 0)
    def _merge():
        def merge_step(r, resm):
            def msweep(j, sc):
                bv, bi, bp = sc
                for u in range(4):
                    jj = 4 * j + u
                    v = comb_loc[pl.ds(RW * jj, L)]
                    gx = plsc.bitcast(comb_loc[pl.ds(RW * jj + L, L)],
                                      jnp.int32)
                    m = v > bv
                    bv = jnp.where(m, v, bv)
                    bi = jnp.where(m, gx, bi)
                    bp = jnp.where(m, iota + RW * jj, bp)
                return bv, bi, bp

            bv, bi, bp = lax.fori_loop(
                0, NS // 4, msweep,
                (jnp.full((L,), NEG, jnp.float32),
                 jnp.full((L,), BIG, jnp.int32),
                 jnp.full((L,), BIG, jnp.int32)))
            gv = _bfly(bv, jnp.maximum, iota)
            vm = bv == gv
            gi = _bfly(jnp.where(vm, bi, BIG), jnp.minimum, iota)
            resm = jnp.where(iota == r, gi, resm)
            gp = _bfly(jnp.where(vm & (bi == gi), bp, BIG), jnp.minimum,
                       iota)
            plsc.store_scatter(comb_loc, [gp], negv, mask=lane0)
            return resm

        resm = lax.fori_loop(0, K, merge_step, jnp.zeros((L,), jnp.int32))
        row_t[...] = resm

        @pl.when(c == 0)
        def _w1():
            pltpu.sync_copy(row_t.at[pl.ds(0, K)], t1_hbm)

        @pl.when(c == 1)
        def _w2():
            pltpu.sync_copy(row_t.at[pl.ds(0, K)], t2_hbm)


def _body_tc(x1_ref, x2_ref, w1_ref, w2_ref):
    for x_ref, w_ref in ((x1_ref, w1_ref), (x2_ref, w2_ref)):
        x = x_ref[...]
        e = jnp.exp(x - jnp.max(x))
        w_ref[...] = e * (1.0 / jnp.sum(e))


@jax.jit
def _run(x1, x2):
    topk = pl.kernel(
        _body_sc,
        out_type=[jax.ShapeDtypeStruct((K,), jnp.int32),
                  jax.ShapeDtypeStruct((K,), jnp.int32)],
        mesh=plsc.VectorSubcoreMesh(
            core_axis_name="c", subcore_axis_name="s",
            num_cores=NC, num_subcores=NS),
        scratch_types=[
            pltpu.VMEM((CHUNK,), jnp.float32),
            pltpu.VMEM_SHARED((NS * RW,), jnp.float32),
            pltpu.VMEM((NS * RW,), jnp.float32),
            pltpu.VMEM((RW,), jnp.float32),
            pltpu.VMEM((L,), jnp.int32),
            pltpu.VMEM((2 * K,), jnp.int32),
            pltpu.VMEM((2 * K,), jnp.float32),
            pltpu.SemaphoreType.DMA,
            pltpu.SemaphoreType.DMA,
            pltpu.SemaphoreType.DMA,
            pltpu.SemaphoreType.DMA,
        ],
        compiler_params=pltpu.CompilerParams(needs_layout_passes=False),
        name="top8_sc",
    )
    w1, w2 = pl.pallas_call(
        _body_tc,
        out_shape=[jax.ShapeDtypeStruct((N,), jnp.float32),
                   jax.ShapeDtypeStruct((N,), jnp.float32)],
        name="softmax_tc",
    )(x1, x2)
    x1b, x2b, _, _ = lax.optimization_barrier((x1, x2, w1, w2))
    t1, t2 = topk(x1b, x2b)
    return w1, w2, t1, t2


def kernel(fc1_logits, fc2_logits):
    return _run(fc1_logits, fc2_logits)

# --- scband reference (transcript-rebuilt; emitter-appended) ---
"""Pipeline reference for scband-layer-composition-weights-15221364097079 (READ-ONLY COPY).

The authoritative reference and input builder live on the scoring server;
editing this copy changes nothing except your own understanding.
"""

import jax, jax.numpy as jnp
import numpy as np

N_PRIMITIVES = 8192
TOP_K = 8
TEMPERATURE = 1.0


def setup_inputs(seed: int = 0) -> dict:
    key = jax.random.key(seed)
    k1, k2 = jax.random.split(key)
    # parameters fc1_logits / fc2_logits, initialized like nn.init.normal_(std=0.01)
    fc1_logits = jax.random.normal(k1, (N_PRIMITIVES,), dtype=jnp.float32) * 0.01
    fc2_logits = jax.random.normal(k2, (N_PRIMITIVES,), dtype=jnp.float32) * 0.01
    return {"fc1_logits": fc1_logits, "fc2_logits": fc2_logits}


def reference(fc1_logits, fc2_logits):
    # get_fc1_weights / get_fc2_weights: softmax over temperature-scaled logits
    fc1_weights = jax.nn.softmax(fc1_logits / TEMPERATURE, axis=0)
    fc2_weights = jax.nn.softmax(fc2_logits / TEMPERATURE, axis=0)
    # get_top_k_indices: topk over the softmax weights (sorted=False in torch; values/order
    # of the selected set are identical, lax.top_k returns them sorted which is a superset
    # of the torch contract)
    _, fc1_top = jax.lax.top_k(fc1_weights, TOP_K)
    _, fc2_top = jax.lax.top_k(fc2_weights, TOP_K)
    return fc1_weights, fc2_weights, fc1_top, fc2_top

if __name__ == "__main__":
    import jax
    _d = setup_inputs()
    print(jax.jit(kernel)(*tuple(_d.values())))

</pallas_src>

<mosaic_0001>
#map = affine_map<(d0, d1) -> (0)>
module attributes {stable_mosaic.version = 14 : i64} {
  func.func @top8_sc(%arg0: i32, %arg1: i32, %arg2: memref<8192xf32, #tpu.memory_space<hbm>>, %arg3: memref<8192xf32, #tpu.memory_space<hbm>>, %arg4: memref<8xi32, #tpu.memory_space<hbm>>, %arg5: memref<8xi32, #tpu.memory_space<hbm>>, %arg6: memref<512xf32, #tpu.memory_space<vmem>>, %arg7: memref<512xf32, #tpu.memory_space<vmem_shared>>, %arg8: memref<512xf32, #tpu.memory_space<vmem>>, %arg9: memref<32xf32, #tpu.memory_space<vmem>>, %arg10: memref<16xi32, #tpu.memory_space<vmem>>, %arg11: memref<16xi32, #tpu.memory_space<vmem>>, %arg12: memref<16xf32, #tpu.memory_space<vmem>>, %arg13: memref<!tpu.dma_semaphore, #tpu.memory_space<semaphore_mem>>, %arg14: memref<!tpu.dma_semaphore, #tpu.memory_space<semaphore_mem>>, %arg15: memref<!tpu.dma_semaphore, #tpu.memory_space<semaphore_mem>>, %arg16: memref<!tpu.dma_semaphore, #tpu.memory_space<semaphore_mem>>) attributes {dimension_semantics = [#tpu.dimension_semantics<core_parallel>, #tpu.dimension_semantics<subcore_parallel>], iteration_bounds = array<i64: 2, 16>, scalar_prefetch = 0 : i64, scratch_operands = 11 : i64, tpu.core_type = #tpu.core_type<sc_vector_subcore>, window_params = [{transform_indices = #map}, {transform_indices = #map}, {transform_indices = #map}, {transform_indices = #map}]} {
    %mul3A = arith.constant 512 : i32
    %mul3A_0 = arith.muli %arg1, %mul3A : i32
    %iota3A = tpu.iota {dimensions = array<i32: 0>} : vector<16xi32>
    %broadcast_in_dim3A = arith.constant 0xFF800000 : f32
    %broadcast_in_dim3A_1 = vector.broadcast %broadcast_in_dim3A : f32 to vector<16xf32>
    %eq3A = arith.constant 0 : i32
    %eq3A_2 = vector.broadcast %eq3A : i32 to vector<16xi32>
    %eq3A_3 = arith.cmpi eq, %iota3A, %eq3A_2 : vector<16xi32>
    %dma_start3A = arith.constant 0 : i32
    %dma_start3A_4 = tpu.memref_slice %arg11[%dma_start3A] : memref<16xi32, #tpu.memory_space<vmem>> -> memref<8xi32, #tpu.memory_space<vmem>>
    %dma_start3A_5 = arith.constant 0 : i32
    %dma_start3A_6 = tpu.memref_slice %arg11[%dma_start3A_5] : memref<16xi32, #tpu.memory_space<vmem>> -> memref<8xi32, #tpu.memory_space<vmem>>
    tpu.enqueue_dma source(%arg4 : memref<8xi32, #tpu.memory_space<hbm>>) target(%dma_start3A_6 : memref<8xi32, #tpu.memory_space<vmem>>) target_semaphore(%arg13 : memref<!tpu.dma_semaphore, #tpu.memory_space<semaphore_mem>>)
    %dma_start3A_7 = arith.constant 8 : i32
    %dma_start3A_8 = tpu.memref_slice %arg11[%dma_start3A_7] : memref<16xi32, #tpu.memory_space<vmem>> -> memref<8xi32, #tpu.memory_space<vmem>>
    %dma_start3A_9 = arith.constant 8 : i32
    %dma_start3A_10 = tpu.memref_slice %arg11[%dma_start3A_9] : memref<16xi32, #tpu.memory_space<vmem>> -> memref<8xi32, #tpu.memory_space<vmem>>
    tpu.enqueue_dma source(%arg5 : memref<8xi32, #tpu.memory_space<hbm>>) target(%dma_start3A_10 : memref<8xi32, #tpu.memory_space<vmem>>) target_semaphore(%arg14 : memref<!tpu.dma_semaphore, #tpu.memory_space<semaphore_mem>>)
    %dma_start3A_11 = arith.constant 0 : i32
    %dma_start3A_12 = tpu.memref_slice %arg12[%dma_start3A_11] : memref<16xf32, #tpu.memory_space<vmem>> -> memref<8xf32, #tpu.memory_space<vmem>>
    %dma_start3A_13 = arith.constant 0 : i32
    %dma_start3A_14 = tpu.memref_slice %arg2[%dma_start3A_13] : memref<8192xf32, #tpu.memory_space<hbm>> -> memref<8xf32, #tpu.memory_space<hbm>>
    %dma_start3A_15 = arith.constant 0 : i32
    %dma_start3A_16 = tpu.memref_slice %arg12[%dma_start3A_15] : memref<16xf32, #tpu.memory_space<vmem>> -> memref<8xf32, #tpu.memory_space<vmem>>
    %dma_start3A_17 = arith.constant 0 : i32
    %dma_start3A_18 = tpu.memref_slice %arg2[%dma_start3A_17] : memref<8192xf32, #tpu.memory_space<hbm>> -> memref<8xf32, #tpu.memory_space<hbm>>
    tpu.enqueue_dma source(%dma_start3A_18 : memref<8xf32, #tpu.memory_space<hbm>>) target(%dma_start3A_16 : memref<8xf32, #tpu.memory_space<vmem>>) target_semaphore(%arg15 : memref<!tpu.dma_semaphore, #tpu.memory_space<semaphore_mem>>)
    %dma_start3A_19 = arith.constant 8 : i32
    %dma_start3A_20 = tpu.memref_slice %arg12[%dma_start3A_19] : memref<16xf32, #tpu.memory_space<vmem>> -> memref<8xf32, #tpu.memory_space<vmem>>
    %dma_start3A_21 = arith.constant 0 : i32
    %dma_start3A_22 = tpu.memref_slice %arg3[%dma_start3A_21] : memref<8192xf32, #tpu.memory_space<hbm>> -> memref<8xf32, #tpu.memory_space<hbm>>
    %dma_start3A_23 = arith.constant 8 : i32
    %dma_start3A_24 = tpu.memref_slice %arg12[%dma_start3A_23] : memref<16xf32, #tpu.memory_space<vmem>> -> memref<8xf32, #tpu.memory_space<vmem>>
    %dma_start3A_25 = arith.constant 0 : i32
    %dma_start3A_26 = tpu.memref_slice %arg3[%dma_start3A_25] : memref<8192xf32, #tpu.memory_space<hbm>> -> memref<8xf32, #tpu.memory_space<hbm>>
    tpu.enqueue_dma source(%dma_start3A_26 : memref<8xf32, #tpu.memory_space<hbm>>) target(%dma_start3A_24 : memref<8xf32, #tpu.memory_space<vmem>>) target_semaphore(%arg16 : memref<!tpu.dma_semaphore, #tpu.memory_space<semaphore_mem>>)
    %eq3A_27 = arith.constant 0 : i32
    %eq3A_28 = arith.cmpi eq, %arg0, %eq3A_27 : i32
    %convert_element_type3A = arith.extui %eq3A_28 : i1 to i32
    %cond3A = arith.constant 0 : i32
    %cond3A_29 = arith.cmpi ne, %convert_element_type3A, %cond3A : i32
    scf.if %cond3A_29 {
      "tpu.region"() ({
        %run_scoped3A = tpu.sem_alloc : memref<!tpu.dma_semaphore, #tpu.memory_space<semaphore_mem>>
        %dma_start3A_78 = arith.constant 0 : i32
        %dma_start3A_79 = tpu.memref_slice %arg6[%dma_start3A_78] : memref<512xf32, #tpu.memory_space<vmem>> -> memref<512xf32, #tpu.memory_space<vmem>>
        %dma_start3A_80 = tpu.memref_slice %arg2[%mul3A_0] : memref<8192xf32, #tpu.memory_space<hbm>> -> memref<512xf32, #tpu.memory_space<hbm>>
        %dma_start3A_81 = arith.constant 0 : i32
        %dma_start3A_82 = tpu.memref_slice %arg6[%dma_start3A_81] : memref<512xf32, #tpu.memory_space<vmem>> -> memref<512xf32, #tpu.memory_space<vmem>>
        %dma_start3A_83 = tpu.memref_slice %arg2[%mul3A_0] : memref<8192xf32, #tpu.memory_space<hbm>> -> memref<512xf32, #tpu.memory_space<hbm>>
        tpu.enqueue_dma source(%dma_start3A_83 : memref<512xf32, #tpu.memory_space<hbm>>) target(%dma_start3A_82 : memref<512xf32, #tpu.memory_space<vmem>>) target_semaphore(%run_scoped3A : memref<!tpu.dma_semaphore, #tpu.memory_space<semaphore_mem>>)
        %dma_wait3A_84 = arith.constant 0 : i32
        %dma_wait3A_85 = tpu.memref_slice %arg6[%dma_wait3A_84] : memref<512xf32, #tpu.memory_space<vmem>> -> memref<512xf32, #tpu.memory_space<vmem>>
        %dma_wait3A_86 = tpu.memref_slice %arg2[%mul3A_0] : memref<8192xf32, #tpu.memory_space<hbm>> -> memref<512xf32, #tpu.memory_space<hbm>>
        %dma_wait3A_87 = arith.constant 0 : i32
        %dma_wait3A_88 = tpu.memref_slice %arg6[%dma_wait3A_87] : memref<512xf32, #tpu.memory_space<vmem>> -> memref<512xf32, #tpu.memory_space<vmem>>
        %dma_wait3A_89 = tpu.memref_slice %arg2[%mul3A_0] : memref<8192xf32, #tpu.memory_space<hbm>> -> memref<512xf32, #tpu.memory_space<hbm>>
        tpu.wait_dma2 semaphore(%run_scoped3A : memref<!tpu.dma_semaphore, #tpu.memory_space<semaphore_mem>>) src(%dma_wait3A_89 : memref<512xf32, #tpu.memory_space<hbm>>) dst(%dma_wait3A_88 : memref<512xf32, #tpu.memory_space<vmem>>)
        tpu.yield
      }) : () -> ()
    } else {
    }
    %eq3A_30 = arith.constant 1 : i32
    %eq3A_31 = arith.cmpi eq, %arg0, %eq3A_30 : i32
    %convert_element_type3A_32 = arith.extui %eq3A_31 : i1 to i32
    %cond3A_33 = arith.constant 0 : i32
    %cond3A_34 = arith.cmpi ne, %convert_element_type3A_32, %cond3A_33 : i32
    scf.if %cond3A_34 {
      "tpu.region"() ({
        %run_scoped3A = tpu.sem_alloc : memref<!tpu.dma_semaphore, #tpu.memory_space<semaphore_mem>>
        %dma_start3A_78 = arith.constant 0 : i32
        %dma_start3A_79 = tpu.memref_slice %arg6[%dma_start3A_78] : memref<512xf32, #tpu.memory_space<vmem>> -> memref<512xf32, #tpu.memory_space<vmem>>
        %dma_start3A_80 = tpu.memref_slice %arg3[%mul3A_0] : memref<8192xf32, #tpu.memory_space<hbm>> -> memref<512xf32, #tpu.memory_space<hbm>>
        %dma_start3A_81 = arith.constant 0 : i32
        %dma_start3A_82 = tpu.memref_slice %arg6[%dma_start3A_81] : memref<512xf32, #tpu.memory_space<vmem>> -> memref<512xf32, #tpu.memory_space<vmem>>
        %dma_start3A_83 = tpu.memref_slice %arg3[%mul3A_0] : memref<8192xf32, #tpu.memory_space<hbm>> -> memref<512xf32, #tpu.memory_space<hbm>>
        tpu.enqueue_dma source(%dma_start3A_83 : memref<512xf32, #tpu.memory_space<hbm>>) target(%dma_start3A_82 : memref<512xf32, #tpu.memory_space<vmem>>) target_semaphore(%run_scoped3A : memref<!tpu.dma_semaphore, #tpu.memory_space<semaphore_mem>>)
        %dma_wait3A_84 = arith.constant 0 : i32
        %dma_wait3A_85 = tpu.memref_slice %arg6[%dma_wait3A_84] : memref<512xf32, #tpu.memory_space<vmem>> -> memref<512xf32, #tpu.memory_space<vmem>>
        %dma_wait3A_86 = tpu.memref_slice %arg3[%mul3A_0] : memref<8192xf32, #tpu.memory_space<hbm>> -> memref<512xf32, #tpu.memory_space<hbm>>
        %dma_wait3A_87 = arith.constant 0 : i32
        %dma_wait3A_88 = tpu.memref_slice %arg6[%dma_wait3A_87] : memref<512xf32, #tpu.memory_space<vmem>> -> memref<512xf32, #tpu.memory_space<vmem>>
        %dma_wait3A_89 = tpu.memref_slice %arg3[%mul3A_0] : memref<8192xf32, #tpu.memory_space<hbm>> -> memref<512xf32, #tpu.memory_space<hbm>>
        tpu.wait_dma2 semaphore(%run_scoped3A : memref<!tpu.dma_semaphore, #tpu.memory_space<semaphore_mem>>) src(%dma_wait3A_89 : memref<512xf32, #tpu.memory_space<hbm>>) dst(%dma_wait3A_88 : memref<512xf32, #tpu.memory_space<vmem>>)
        tpu.yield
      }) : () -> ()
    } else {
    }
    %dma_wait3A = arith.constant 0 : i32
    %dma_wait3A_35 = tpu.memref_slice %arg11[%dma_wait3A] : memref<16xi32, #tpu.memory_space<vmem>> -> memref<8xi32, #tpu.memory_space<vmem>>
    %dma_wait3A_36 = arith.constant 0 : i32
    %dma_wait3A_37 = tpu.memref_slice %arg11[%dma_wait3A_36] : memref<16xi32, #tpu.memory_space<vmem>> -> memref<8xi32, #tpu.memory_space<vmem>>
    tpu.wait_dma2 semaphore(%arg13 : memref<!tpu.dma_semaphore, #tpu.memory_space<semaphore_mem>>) src(%arg4 : memref<8xi32, #tpu.memory_space<hbm>>) dst(%dma_wait3A_37 : memref<8xi32, #tpu.memory_space<vmem>>)
    %dma_wait3A_38 = arith.constant 8 : i32
    %dma_wait3A_39 = tpu.memref_slice %arg11[%dma_wait3A_38] : memref<16xi32, #tpu.memory_space<vmem>> -> memref<8xi32, #tpu.memory_space<vmem>>
    %dma_wait3A_40 = arith.constant 8 : i32
    %dma_wait3A_41 = tpu.memref_slice %arg11[%dma_wait3A_40] : memref<16xi32, #tpu.memory_space<vmem>> -> memref<8xi32, #tpu.memory_space<vmem>>
    tpu.wait_dma2 semaphore(%arg14 : memref<!tpu.dma_semaphore, #tpu.memory_space<semaphore_mem>>) src(%arg5 : memref<8xi32, #tpu.memory_space<hbm>>) dst(%dma_wait3A_41 : memref<8xi32, #tpu.memory_space<vmem>>)
    %dma_wait3A_42 = arith.constant 0 : i32
    %dma_wait3A_43 = tpu.memref_slice %arg12[%dma_wait3A_42] : memref<16xf32, #tpu.memory_space<vmem>> -> memref<8xf32, #tpu.memory_space<vmem>>
    %dma_wait3A_44 = arith.constant 0 : i32
    %dma_wait3A_45 = tpu.memref_slice %arg2[%dma_wait3A_44] : memref<8192xf32, #tpu.memory_space<hbm>> -> memref<8xf32, #tpu.memory_space<hbm>>
    %dma_wait3A_46 = arith.constant 0 : i32
    %dma_wait3A_47 = tpu.memref_slice %arg12[%dma_wait3A_46] : memref<16xf32, #tpu.memory_space<vmem>> -> memref<8xf32, #tpu.memory_space<vmem>>
    %dma_wait3A_48 = arith.constant 0 : i32
    %dma_wait3A_49 = tpu.memref_slice %arg2[%dma_wait3A_48] : memref<8192xf32, #tpu.memory_space<hbm>> -> memref<8xf32, #tpu.memory_space<hbm>>
    tpu.wait_dma2 semaphore(%arg15 : memref<!tpu.dma_semaphore, #tpu.memory_space<semaphore_mem>>) src(%dma_wait3A_49 : memref<8xf32, #tpu.memory_space<hbm>>) dst(%dma_wait3A_47 : memref<8xf32, #tpu.memory_space<vmem>>)
    %dma_wait3A_50 = arith.constant 8 : i32
    %dma_wait3A_51 = tpu.memref_slice %arg12[%dma_wait3A_50] : memref<16xf32, #tpu.memory_space<vmem>> -> memref<8xf32, #tpu.memory_space<vmem>>
    %dma_wait3A_52 = arith.constant 0 : i32
    %dma_wait3A_53 = tpu.memref_slice %arg3[%dma_wait3A_52] : memref<8192xf32, #tpu.memory_space<hbm>> -> memref<8xf32, #tpu.memory_space<hbm>>
    %dma_wait3A_54 = arith.constant 8 : i32
    %dma_wait3A_55 = tpu.memref_slice %arg12[%dma_wait3A_54] : memref<16xf32, #tpu.memory_space<vmem>> -> memref<8xf32, #tpu.memory_space<vmem>>
    %dma_wait3A_56 = arith.constant 0 : i32
    %dma_wait3A_57 = tpu.memref_slice %arg3[%dma_wait3A_56] : memref<8192xf32, #tpu.memory_space<hbm>> -> memref<8xf32, #tpu.memory_space<hbm>>
    tpu.wait_dma2 semaphore(%arg16 : memref<!tpu.dma_semaphore, #tpu.memory_space<semaphore_mem>>) src(%dma_wait3A_57 : memref<8xf32, #tpu.memory_space<hbm>>) dst(%dma_wait3A_55 : memref<8xf32, #tpu.memory_space<vmem>>)
    %broadcast_in_dim3A_58 = arith.constant 0xFF800000 : f32
    %broadcast_in_dim3A_59 = vector.broadcast %broadcast_in_dim3A_58 : f32 to vector<16xf32>
    %broadcast_in_dim3A_60 = arith.constant 1073741823 : i32
    %broadcast_in_dim3A_61 = vector.broadcast %broadcast_in_dim3A_60 : i32 to vector<16xi32>
    %scan3A = arith.constant 0 : i32
    %scan3A_62 = arith.constant 8 : i32
    %scan3A_63 = arith.addi %scan3A, %scan3A_62 : i32
    %scan3A_64 = arith.constant 1 : i32
    %scan3A_65:2 = scf.for %scan3A_78 = %scan3A to %scan3A_63 step %scan3A_64 iter_args(%scan3A_79 = %broadcast_in_dim3A_59, %scan3A_80 = %broadcast_in_dim3A_61) -> (vector<16xf32>, vector<16xi32>)  : i32 {
      %broadcast_in_dim3A_81 = arith.constant 0xFF800000 : f32
      %broadcast_in_dim3A_82 = vector.broadcast %broadcast_in_dim3A_81 : f32 to vector<16xf32>
      %broadcast_in_dim3A_83 = arith.constant 1073741823 : i32
      %broadcast_in_dim3A_84 = vector.broadcast %broadcast_in_dim3A_83 : i32 to vector<16xi32>
      %scan3A_85 = arith.constant 0 : i32
      %scan3A_86 = arith.constant 8 : i32
      %scan3A_87 = arith.addi %scan3A_85, %scan3A_86 : i32
      %scan3A_88 = arith.constant 1 : i32
      %scan3A_89:2 = scf.for %scan3A_154 = %scan3A_85 to %scan3A_87 step %scan3A_88 iter_args(%scan3A_155 = %broadcast_in_dim3A_82, %scan3A_156 = %broadcast_in_dim3A_84) -> (vector<16xf32>, vector<16xi32>)  : i32 {
        %mul3A_157 = arith.constant 4 : i32
        %mul3A_158 = arith.muli %mul3A_157, %scan3A_154 : i32
        %add3A_159 = arith.constant 0 : i32
        %add3A_160 = arith.addi %mul3A_158, %add3A_159 : i32
        %mul3A_161 = arith.constant 16 : i32
        %mul3A_162 = arith.muli %mul3A_161, %add3A_160 : i32
        %add3A_163 = arith.constant 0 : i32
        %add3A_164 = arith.addi %add3A_163, %mul3A_162 : i32
        %get3A = arith.index_cast %add3A_164 : i32 to index
        %get3A_165 = tpu.vector_load %arg6[%get3A] {strides = array<i32>} : memref<512xf32, #tpu.memory_space<vmem>>, vector<16xf32>,
        %gt3A = arith.cmpf ogt, %get3A_165, %scan3A_155 : vector<16xf32>
        %select_n3A_166 = arith.select %gt3A, %get3A_165, %scan3A_155 : vector<16xi1>, vector<16xf32>
        %add3A_167 = vector.broadcast %mul3A_162 : i32 to vector<16xi32>
        %add3A_168 = arith.addi %iota3A, %add3A_167 : vector<16xi32>
        %select_n3A_169 = arith.select %gt3A, %add3A_168, %scan3A_156 : vector<16xi1>, vector<16xi32>
        %mul3A_170 = arith.constant 4 : i32
        %mul3A_171 = arith.muli %mul3A_170, %scan3A_154 : i32
        %add3A_172 = arith.constant 1 : i32
        %add3A_173 = arith.addi %mul3A_171, %add3A_172 : i32
        %mul3A_174 = arith.constant 16 : i32
        %mul3A_175 = arith.muli %mul3A_174, %add3A_173 : i32
        %add3A_176 = arith.constant 0 : i32
        %add3A_177 = arith.addi %add3A_176, %mul3A_175 : i32
        %get3A_178 = arith.index_cast %add3A_177 : i32 to index
        %get3A_179 = tpu.vector_load %arg6[%get3A_178] {strides = array<i32>} : memref<512xf32, #tpu.memory_space<vmem>>, vector<16xf32>,
        %gt3A_180 = arith.cmpf ogt, %get3A_179, %select_n3A_166 : vector<16xf32>
        %select_n3A_181 = arith.select %gt3A_180, %get3A_179, %select_n3A_166 : vector<16xi1>, vector<16xf32>
        %add3A_182 = vector.broadcast %mul3A_175 : i32 to vector<16xi32>
        %add3A_183 = arith.addi %iota3A, %add3A_182 : vector<16xi32>
        %select_n3A_184 = arith.select %gt3A_180, %add3A_183, %select_n3A_169 : vector<16xi1>, vector<16xi32>
        %mul3A_185 = arith.constant 4 : i32
        %mul3A_186 = arith.muli %mul3A_185, %scan3A_154 : i32
        %add3A_187 = arith.constant 2 : i32
        %add3A_188 = arith.addi %mul3A_186, %add3A_187 : i32
        %mul3A_189 = arith.constant 16 : i32
        %mul3A_190 = arith.muli %mul3A_189, %add3A_188 : i32
        %add3A_191 = arith.constant 0 : i32
        %add3A_192 = arith.addi %add3A_191, %mul3A_190 : i32
        %get3A_193 = arith.index_cast %add3A_192 : i32 to index
        %get3A_194 = tpu.vector_load %arg6[%get3A_193] {strides = array<i32>} : memref<512xf32, #tpu.memory_space<vmem>>, vector<16xf32>,
        %gt3A_195 = arith.cmpf ogt, %get3A_194, %select_n3A_181 : vector<16xf32>
        %select_n3A_196 = arith.select %gt3A_195, %get3A_194, %select_n3A_181 : vector<16xi1>, vector<16xf32>
        %add3A_197 = vector.broadcast %mul3A_190 : i32 to vector<16xi32>
        %add3A_198 = arith.addi %iota3A, %add3A_197 : vector<16xi32>
        %select_n3A_199 = arith.select %gt3A_195, %add3A_198, %select_n3A_184 : vector<16xi1>, vector<16xi32>
        %mul3A_200 = arith.constant 4 : i32
        %mul3A_201 = arith.muli %mul3A_200, %scan3A_154 : i32
        %add3A_202 = arith.constant 3 : i32
        %add3A_203 = arith.addi %mul3A_201, %add3A_202 : i32
        %mul3A_204 = arith.constant 16 : i32
        %mul3A_205 = arith.muli %mul3A_204, %add3A_203 : i32
        %add3A_206 = arith.constant 0 : i32
        %add3A_207 = arith.addi %add3A_206, %mul3A_205 : i32
        %get3A_208 = arith.index_cast %add3A_207 : i32 to index
        %get3A_209 = tpu.vector_load %arg6[%get3A_208] {strides = array<i32>} : memref<512xf32, #tpu.memory_space<vmem>>, vector<16xf32>,
        %gt3A_210 = arith.cmpf ogt, %get3A_209, %select_n3A_196 : vector<16xf32>
        %select_n3A_211 = arith.select %gt3A_210, %get3A_209, %select_n3A_196 : vector<16xi1>, vector<16xf32>
        %add3A_212 = vector.broadcast %mul3A_205 : i32 to vector<16xi32>
        %add3A_213 = arith.addi %iota3A, %add3A_212 : vector<16xi32>
        %select_n3A_214 = arith.select %gt3A_210, %add3A_213, %select_n3A_199 : vector<16xi1>, vector<16xi32>
        scf.yield %select_n3A_211, %select_n3A_214 : vector<16xf32>, vector<16xi32>
      }
      %scan3A_90 = arith.constant 8 : i32
      %xor3A = arith.constant 1 : i32
      %xor3A_91 = vector.broadcast %xor3A : i32 to vector<16xi32>
      %xor3A_92 = arith.xori %iota3A, %xor3A_91 : vector<16xi32>
      %broadcast_in_dim3A_93 = vector.shape_cast %xor3A_92 : vector<16xi32> to vector<16x1xi32>
      %gather3A = vector.shape_cast %broadcast_in_dim3A_93 : vector<16x1xi32> to vector<16xi32>
      %gather3A_94 = tpu.dynamic_gather %scan3A_89#0[%gather3A] in [0] : vector<16xf32>, vector<16xi32> -> vector<16xf32>
      %max3A = arith.maximumf %scan3A_89#0, %gather3A_94 : vector<16xf32>
      %xor3A_95 = arith.constant 2 : i32
      %xor3A_96 = vector.broadcast %xor3A_95 : i32 to vector<16xi32>
      %xor3A_97 = arith.xori %iota3A, %xor3A_96 : vector<16xi32>
      %broadcast_in_dim3A_98 = vector.shape_cast %xor3A_97 : vector<16xi32> to vector<16x1xi32>
      %gather3A_99 = vector.shape_cast %broadcast_in_dim3A_98 : vector<16x1xi32> to vector<16xi32>
      %gather3A_100 = tpu.dynamic_gather %max3A[%gather3A_99] in [0] : vector<16xf32>, vector<16xi32> -> vector<16xf32>
      %max3A_101 = arith.maximumf %max3A, %gather3A_100 : vector<16xf32>
      %xor3A_102 = arith.constant 4 : i32
      %xor3A_103 = vector.broadcast %xor3A_102 : i32 to vector<16xi32>
      %xor3A_104 = arith.xori %iota3A, %xor3A_103 : vector<16xi32>
      %broadcast_in_dim3A_105 = vector.shape_cast %xor3A_104 : vector<16xi32> to vector<16x1xi32>
      %gather3A_106 = vector.shape_cast %broadcast_in_dim3A_105 : vector<16x1xi32> to vector<16xi32>
      %gather3A_107 = tpu.dynamic_gather %max3A_101[%gather3A_106] in [0] : vector<16xf32>, vector<16xi32> -> vector<16xf32>
      %max3A_108 = arith.maximumf %max3A_101, %gather3A_107 : vector<16xf32>
      %xor3A_109 = arith.constant 8 : i32
      %xor3A_110 = vector.broadcast %xor3A_109 : i32 to vector<16xi32>
      %xor3A_111 = arith.xori %iota3A, %xor3A_110 : vector<16xi32>
      %broadcast_in_dim3A_112 = vector.shape_cast %xor3A_111 : vector<16xi32> to vector<16x1xi32>
      %gather3A_113 = vector.shape_cast %broadcast_in_dim3A_112 : vector<16x1xi32> to vector<16xi32>
      %gather3A_114 = tpu.dynamic_gather %max3A_108[%gather3A_113] in [0] : vector<16xf32>, vector<16xi32> -> vector<16xf32>
      %max3A_115 = arith.maximumf %max3A_108, %gather3A_114 : vector<16xf32>
      %eq3A_116 = arith.cmpf oeq, %scan3A_89#0, %max3A_115 : vector<16xf32>
      %jit3A = arith.constant 1073741823 : i32
      %broadcast_in_dim3A_117 = vector.broadcast %jit3A : i32 to vector<16xi32>
      %select_n3A = arith.select %eq3A_116, %scan3A_89#1, %broadcast_in_dim3A_117 : vector<16xi1>, vector<16xi32>
      %xor3A_118 = arith.constant 1 : i32
      %xor3A_119 = vector.broadcast %xor3A_118 : i32 to vector<16xi32>
      %xor3A_120 = arith.xori %iota3A, %xor3A_119 : vector<16xi32>
      %broadcast_in_dim3A_121 = vector.shape_cast %xor3A_120 : vector<16xi32> to vector<16x1xi32>
      %gather3A_122 = vector.shape_cast %broadcast_in_dim3A_121 : vector<16x1xi32> to vector<16xi32>
      %gather3A_123 = tpu.dynamic_gather %select_n3A[%gather3A_122] in [0] : vector<16xi32>, vector<16xi32> -> vector<16xi32>
      %min3A = arith.minsi %select_n3A, %gather3A_123 : vector<16xi32>
      %xor3A_124 = arith.constant 2 : i32
      %xor3A_125 = vector.broadcast %xor3A_124 : i32 to vector<16xi32>
      %xor3A_126 = arith.xori %iota3A, %xor3A_125 : vector<16xi32>
      %broadcast_in_dim3A_127 = vector.shape_cast %xor3A_126 : vector<16xi32> to vector<16x1xi32>
      %gather3A_128 = vector.shape_cast %broadcast_in_dim3A_127 : vector<16x1xi32> to vector<16xi32>
      %gather3A_129 = tpu.dynamic_gather %min3A[%gather3A_128] in [0] : vector<16xi32>, vector<16xi32> -> vector<16xi32>
      %min3A_130 = arith.minsi %min3A, %gather3A_129 : vector<16xi32>
      %xor3A_131 = arith.constant 4 : i32
      %xor3A_132 = vector.broadcast %xor3A_131 : i32 to vector<16xi32>
      %xor3A_133 = arith.xori %iota3A, %xor3A_132 : vector<16xi32>
      %broadcast_in_dim3A_134 = vector.shape_cast %xor3A_133 : vector<16xi32> to vector<16x1xi32>
      %gather3A_135 = vector.shape_cast %broadcast_in_dim3A_134 : vector<16x1xi32> to vector<16xi32>
      %gather3A_136 = tpu.dynamic_gather %min3A_130[%gather3A_135] in [0] : vector<16xi32>, vector<16xi32> -> vector<16xi32>
      %min3A_137 = arith.minsi %min3A_130, %gather3A_136 : vector<16xi32>
      %xor3A_138 = arith.constant 8 : i32
      %xor3A_139 = vector.broadcast %xor3A_138 : i32 to vector<16xi32>
      %xor3A_140 = arith.xori %iota3A, %xor3A_139 : vector<16xi32>
      %broadcast_in_dim3A_141 = vector.shape_cast %xor3A_140 : vector<16xi32> to vector<16x1xi32>
      %gather3A_142 = vector.shape_cast %broadcast_in_dim3A_141 : vector<16x1xi32> to vector<16xi32>
      %gather3A_143 = tpu.dynamic_gather %min3A_137[%gather3A_142] in [0] : vector<16xi32>, vector<16xi32> -> vector<16xi32>
      %min3A_144 = arith.minsi %min3A_137, %gather3A_143 : vector<16xi32>
      %eq3A_145 = vector.broadcast %scan3A_78 : i32 to vector<16xi32>
      %eq3A_146 = arith.cmpi eq, %iota3A, %eq3A_145 : vector<16xi32>
      %select_n3A_147 = arith.select %eq3A_146, %max3A_115, %scan3A_79 : vector<16xi1>, vector<16xf32>
      %eq3A_148 = vector.broadcast %scan3A_78 : i32 to vector<16xi32>
      %eq3A_149 = arith.cmpi eq, %iota3A, %eq3A_148 : vector<16xi32>
      %select_n3A_150 = arith.select %eq3A_149, %min3A_144, %scan3A_80 : vector<16xi1>, vector<16xi32>
      %add3A_151 = arith.constant 0 : i32
      %add3A_152 = vector.broadcast %add3A_151 : i32 to vector<16xi32>
      %add3A_153 = arith.addi %min3A_144, %add3A_152 : vector<16xi32>
      tpu.vector_store_idx %arg6[%add3A_153], %broadcast_in_dim3A_1 masked %eq3A_3 : memref<512xf32, #tpu.memory_space<vmem>>[vector<16xi32>], vector<16xf32>, vector<16xi1>
      scf.yield %select_n3A_147, %select_n3A_150 : vector<16xf32>, vector<16xi32>
    }
    %scan3A_66 = arith.constant 8 : i32
    %swap3A = arith.constant 0 : index
    %swap3A_67 = tpu.vector_load %arg9[%swap3A] {strides = array<i32>} : memref<32xf32, #tpu.memory_space<vmem>>, vector<16xf32>,
    tpu.vector_store %arg9[%swap3A], %scan3A_65#0 {strides = array<i32>} : memref<32xf32, #tpu.memory_space<vmem>>, vector<16xf32>,
    %add3A = vector.broadcast %mul3A_0 : i32 to vector<16xi32>
    %add3A_68 = arith.addi %scan3A_65#1, %add3A : vector<16xi32>
    %bitcast3A = vector.bitcast %add3A_68 : vector<16xi32> to vector<16xf32>
    %swap3A_69 = arith.constant 16 : index
    %swap3A_70 = tpu.vector_load %arg9[%swap3A_69] {strides = array<i32>} : memref<32xf32, #tpu.memory_space<vmem>>, vector<16xf32>,
    tpu.vector_store %arg9[%swap3A_69], %bitcast3A {strides = array<i32>} : memref<32xf32, #tpu.memory_space<vmem>>, vector<16xf32>,
    %mul3A_71 = arith.constant 32 : i32
    %mul3A_72 = arith.muli %arg1, %mul3A_71 : i32
    "tpu.region"() ({
      %run_scoped3A = tpu.sem_alloc : memref<!tpu.dma_semaphore, #tpu.memory_space<semaphore_mem>>
      %dma_start3A_78 = tpu.memref_slice %arg7[%mul3A_72] : memref<512xf32, #tpu.memory_space<vmem_shared>> -> memref<32xf32, #tpu.memory_space<vmem_shared>>
      %dma_start3A_79 = tpu.memref_slice %arg7[%mul3A_72] : memref<512xf32, #tpu.memory_space<vmem_shared>> -> memref<32xf32, #tpu.memory_space<vmem_shared>>
      tpu.enqueue_dma source(%arg9 : memref<32xf32, #tpu.memory_space<vmem>>) target(%dma_start3A_79 : memref<32xf32, #tpu.memory_space<vmem_shared>>) target_semaphore(%run_scoped3A : memref<!tpu.dma_semaphore, #tpu.memory_space<semaphore_mem>>)
      %dma_wait3A_80 = tpu.memref_slice %arg7[%mul3A_72] : memref<512xf32, #tpu.memory_space<vmem_shared>> -> memref<32xf32, #tpu.memory_space<vmem_shared>>
      %dma_wait3A_81 = tpu.memref_slice %arg7[%mul3A_72] : memref<512xf32, #tpu.memory_space<vmem_shared>> -> memref<32xf32, #tpu.memory_space<vmem_shared>>
      tpu.wait_dma2 semaphore(%run_scoped3A : memref<!tpu.dma_semaphore, #tpu.memory_space<semaphore_mem>>) src(%arg9 : memref<32xf32, #tpu.memory_space<vmem>>) dst(%dma_wait3A_81 : memref<32xf32, #tpu.memory_space<vmem_shared>>)
      tpu.yield
    }) : () -> ()
    %barrier3A = arith.constant 0 : index
    tpu.barrier barrier_id(%barrier3A)
    "tpu.region"() ({
      %run_scoped3A = tpu.sem_alloc : memref<!tpu.dma_semaphore, #tpu.memory_space<semaphore_mem>>
      tpu.enqueue_dma source(%arg7 : memref<512xf32, #tpu.memory_space<vmem_shared>>) target(%arg8 : memref<512xf32, #tpu.memory_space<vmem>>) target_semaphore(%run_scoped3A : memref<!tpu.dma_semaphore, #tpu.memory_space<semaphore_mem>>)
      tpu.wait_dma2 semaphore(%run_scoped3A : memref<!tpu.dma_semaphore, #tpu.memory_space<semaphore_mem>>) src(%arg7 : memref<512xf32, #tpu.memory_space<vmem_shared>>) dst(%arg8 : memref<512xf32, #tpu.memory_space<vmem>>)
      tpu.yield
    }) : () -> ()
    %eq3A_73 = arith.constant 0 : i32
    %eq3A_74 = arith.cmpi eq, %arg1, %eq3A_73 : i32
    %convert_element_type3A_75 = arith.extui %eq3A_74 : i1 to i32
    %cond3A_76 = arith.constant 0 : i32
    %cond3A_77 = arith.cmpi ne, %convert_element_type3A_75, %cond3A_76 : i32
    scf.if %cond3A_77 {
      %broadcast_in_dim3A_78 = arith.constant 0 : i32
      %broadcast_in_dim3A_79 = vector.broadcast %broadcast_in_dim3A_78 : i32 to vector<16xi32>
      %scan3A_80 = arith.constant 0 : i32
      %scan3A_81 = arith.constant 8 : i32
      %scan3A_82 = arith.addi %scan3A_80, %scan3A_81 : i32
      %scan3A_83 = arith.constant 1 : i32
      %scan3A_84 = scf.for %scan3A_98 = %scan3A_80 to %scan3A_82 step %scan3A_83 iter_args(%scan3A_99 = %broadcast_in_dim3A_79) -> (vector<16xi32>)  : i32 {
        %broadcast_in_dim3A_100 = arith.constant 0xFF800000 : f32
        %broadcast_in_dim3A_101 = vector.broadcast %broadcast_in_dim3A_100 : f32 to vector<16xf32>
        %broadcast_in_dim3A_102 = arith.constant 1073741823 : i32
        %broadcast_in_dim3A_103 = vector.broadcast %broadcast_in_dim3A_102 : i32 to vector<16xi32>
        %broadcast_in_dim3A_104 = arith.constant 1073741823 : i32
        %broadcast_in_dim3A_105 = vector.broadcast %broadcast_in_dim3A_104 : i32 to vector<16xi32>
        %scan3A_106 = arith.constant 0 : i32
        %scan3A_107 = arith.constant 4 : i32
        %scan3A_108 = arith.addi %scan3A_106, %scan3A_107 : i32
        %scan3A_109 = arith.constant 1 : i32
        %scan3A_110:3 = scf.for %scan3A_201 = %scan3A_106 to %scan3A_108 step %scan3A_109 iter_args(%scan3A_202 = %broadcast_in_dim3A_101, %scan3A_203 = %broadcast_in_dim3A_103, %scan3A_204 = %broadcast_in_dim3A_105) -> (vector<16xf32>, vector<16xi32>, vector<16xi32>)  : i32 {
          %mul3A_205 = arith.constant 4 : i32
          %mul3A_206 = arith.muli %mul3A_205, %scan3A_201 : i32
          %add3A_207 = arith.constant 0 : i32
          %add3A_208 = arith.addi %mul3A_206, %add3A_207 : i32
          %mul3A_209 = arith.constant 32 : i32
          %mul3A_210 = arith.muli %mul3A_209, %add3A_208 : i32
          %get3A = arith.index_cast %mul3A_210 : i32 to index
          %get3A_211 = tpu.vector_load %arg8[%get3A] {strides = array<i32>} : memref<512xf32, #tpu.memory_space<vmem>>, vector<16xf32>,
          %mul3A_212 = arith.constant 32 : i32
          %mul3A_213 = arith.muli %mul3A_212, %add3A_208 : i32
          %add3A_214 = arith.constant 16 : i32
          %add3A_215 = arith.addi %mul3A_213, %add3A_214 : i32
          %get3A_216 = arith.index_cast %add3A_215 : i32 to index
          %get3A_217 = tpu.vector_load %arg8[%get3A_216] {strides = array<i32>} : memref<512xf32, #tpu.memory_space<vmem>>, vector<16xf32>,
          %bitcast3A_218 = vector.bitcast %get3A_217 : vector<16xf32> to vector<16xi32>
          %gt3A = arith.cmpf ogt, %get3A_211, %scan3A_202 : vector<16xf32>
          %select_n3A_219 = arith.select %gt3A, %get3A_211, %scan3A_202 : vector<16xi1>, vector<16xf32>
          %select_n3A_220 = arith.select %gt3A, %bitcast3A_218, %scan3A_203 : vector<16xi1>, vector<16xi32>
          %mul3A_221 = arith.constant 32 : i32
          %mul3A_222 = arith.muli %mul3A_221, %add3A_208 : i32
          %add3A_223 = vector.broadcast %mul3A_222 : i32 to vector<16xi32>
          %add3A_224 = arith.addi %iota3A, %add3A_223 : vector<16xi32>
          %select_n3A_225 = arith.select %gt3A, %add3A_224, %scan3A_204 : vector<16xi1>, vector<16xi32>
          %mul3A_226 = arith.constant 4 : i32
          %mul3A_227 = arith.muli %mul3A_226, %scan3A_201 : i32
          %add3A_228 = arith.constant 1 : i32
          %add3A_229 = arith.addi %mul3A_227, %add3A_228 : i32
          %mul3A_230 = arith.constant 32 : i32
          %mul3A_231 = arith.muli %mul3A_230, %add3A_229 : i32
          %get3A_232 = arith.index_cast %mul3A_231 : i32 to index
          %get3A_233 = tpu.vector_load %arg8[%get3A_232] {strides = array<i32>} : memref<512xf32, #tpu.memory_space<vmem>>, vector<16xf32>,
          %mul3A_234 = arith.constant 32 : i32
          %mul3A_235 = arith.muli %mul3A_234, %add3A_229 : i32
          %add3A_236 = arith.constant 16 : i32
          %add3A_237 = arith.addi %mul3A_235, %add3A_236 : i32
          %get3A_238 = arith.index_cast %add3A_237 : i32 to index
          %get3A_239 = tpu.vector_load %arg8[%get3A_238] {strides = array<i32>} : memref<512xf32, #tpu.memory_space<vmem>>, vector<16xf32>,
          %bitcast3A_240 = vector.bitcast %get3A_239 : vector<16xf32> to vector<16xi32>
          %gt3A_241 = arith.cmpf ogt, %get3A_233, %select_n3A_219 : vector<16xf32>
          %select_n3A_242 = arith.select %gt3A_241, %get3A_233, %select_n3A_219 : vector<16xi1>, vector<16xf32>
          %select_n3A_243 = arith.select %gt3A_241, %bitcast3A_240, %select_n3A_220 : vector<16xi1>, vector<16xi32>
          %mul3A_244 = arith.constant 32 : i32
          %mul3A_245 = arith.muli %mul3A_244, %add3A_229 : i32
          %add3A_246 = vector.broadcast %mul3A_245 : i32 to vector<16xi32>
          %add3A_247 = arith.addi %iota3A, %add3A_246 : vector<16xi32>
          %select_n3A_248 = arith.select %gt3A_241, %add3A_247, %select_n3A_225 : vector<16xi1>, vector<16xi32>
          %mul3A_249 = arith.constant 4 : i32
          %mul3A_250 = arith.muli %mul3A_249, %scan3A_201 : i32
          %add3A_251 = arith.constant 2 : i32
          %add3A_252 = arith.addi %mul3A_250, %add3A_251 : i32
          %mul3A_253 = arith.constant 32 : i32
          %mul3A_254 = arith.muli %mul3A_253, %add3A_252 : i32
          %get3A_255 = arith.index_cast %mul3A_254 : i32 to index
          %get3A_256 = tpu.vector_load %arg8[%get3A_255] {strides = array<i32>} : memref<512xf32, #tpu.memory_space<vmem>>, vector<16xf32>,
          %mul3A_257 = arith.constant 32 : i32
          %mul3A_258 = arith.muli %mul3A_257, %add3A_252 : i32
          %add3A_259 = arith.constant 16 : i32
          %add3A_260 = arith.addi %mul3A_258, %add3A_259 : i32
          %get3A_261 = arith.index_cast %add3A_260 : i32 to index
          %get3A_262 = tpu.vector_load %arg8[%get3A_261] {strides = array<i32>} : memref<512xf32, #tpu.memory_space<vmem>>, vector<16xf32>,
          %bitcast3A_263 = vector.bitcast %get3A_262 : vector<16xf32> to vector<16xi32>
          %gt3A_264 = arith.cmpf ogt, %get3A_256, %select_n3A_242 : vector<16xf32>
          %select_n3A_265 = arith.select %gt3A_264, %get3A_256, %select_n3A_242 : vector<16xi1>, vector<16xf32>
          %select_n3A_266 = arith.select %gt3A_264, %bitcast3A_263, %select_n3A_243 : vector<16xi1>, vector<16xi32>
          %mul3A_267 = arith.constant 32 : i32
          %mul3A_268 = arith.muli %mul3A_267, %add3A_252 : i32
          %add3A_269 = vector.broadcast %mul3A_268 : i32 to vector<16xi32>
          %add3A_270 = arith.addi %iota3A, %add3A_269 : vector<16xi32>
          %select_n3A_271 = arith.select %gt3A_264, %add3A_270, %select_n3A_248 : vector<16xi1>, vector<16xi32>
          %mul3A_272 = arith.constant 4 : i32
          %mul3A_273 = arith.muli %mul3A_272, %scan3A_201 : i32
          %add3A_274 = arith.constant 3 : i32
          %add3A_275 = arith.addi %mul3A_273, %add3A_274 : i32
          %mul3A_276 = arith.constant 32 : i32
          %mul3A_277 = arith.muli %mul3A_276, %add3A_275 : i32
          %get3A_278 = arith.index_cast %mul3A_277 : i32 to index
          %get3A_279 = tpu.vector_load %arg8[%get3A_278] {strides = array<i32>} : memref<512xf32, #tpu.memory_space<vmem>>, vector<16xf32>,
          %mul3A_280 = arith.constant 32 : i32
          %mul3A_281 = arith.muli %mul3A_280, %add3A_275 : i32
          %add3A_282 = arith.constant 16 : i32
          %add3A_283 = arith.addi %mul3A_281, %add3A_282 : i32
          %get3A_284 = arith.index_cast %add3A_283 : i32 to index
          %get3A_285 = tpu.vector_load %arg8[%get3A_284] {strides = array<i32>} : memref<512xf32, #tpu.memory_space<vmem>>, vector<16xf32>,
          %bitcast3A_286 = vector.bitcast %get3A_285 : vector<16xf32> to vector<16xi32>
          %gt3A_287 = arith.cmpf ogt, %get3A_279, %select_n3A_265 : vector<16xf32>
          %select_n3A_288 = arith.select %gt3A_287, %get3A_279, %select_n3A_265 : vector<16xi1>, vector<16xf32>
          %select_n3A_289 = arith.select %gt3A_287, %bitcast3A_286, %select_n3A_266 : vector<16xi1>, vector<16xi32>
          %mul3A_290 = arith.constant 32 : i32
          %mul3A_291 = arith.muli %mul3A_290, %add3A_275 : i32
          %add3A_292 = vector.broadcast %mul3A_291 : i32 to vector<16xi32>
          %add3A_293 = arith.addi %iota3A, %add3A_292 : vector<16xi32>
          %select_n3A_294 = arith.select %gt3A_287, %add3A_293, %select_n3A_271 : vector<16xi1>, vector<16xi32>
          scf.yield %select_n3A_288, %select_n3A_289, %select_n3A_294 : vector<16xf32>, vector<16xi32>, vector<16xi32>
        }
        %scan3A_111 = arith.constant 4 : i32
        %xor3A = arith.constant 1 : i32
        %xor3A_112 = vector.broadcast %xor3A : i32 to vector<16xi32>
        %xor3A_113 = arith.xori %iota3A, %xor3A_112 : vector<16xi32>
        %broadcast_in_dim3A_114 = vector.shape_cast %xor3A_113 : vector<16xi32> to vector<16x1xi32>
        %gather3A = vector.shape_cast %broadcast_in_dim3A_114 : vector<16x1xi32> to vector<16xi32>
        %gather3A_115 = tpu.dynamic_gather %scan3A_110#0[%gather3A] in [0] : vector<16xf32>, vector<16xi32> -> vector<16xf32>
        %max3A = arith.maximumf %scan3A_110#0, %gather3A_115 : vector<16xf32>
        %xor3A_116 = arith.constant 2 : i32
        %xor3A_117 = vector.broadcast %xor3A_116 : i32 to vector<16xi32>
        %xor3A_118 = arith.xori %iota3A, %xor3A_117 : vector<16xi32>
        %broadcast_in_dim3A_119 = vector.shape_cast %xor3A_118 : vector<16xi32> to vector<16x1xi32>
        %gather3A_120 = vector.shape_cast %broadcast_in_dim3A_119 : vector<16x1xi32> to vector<16xi32>
        %gather3A_121 = tpu.dynamic_gather %max3A[%gather3A_120] in [0] : vector<16xf32>, vector<16xi32> -> vector<16xf32>
        %max3A_122 = arith.maximumf %max3A, %gather3A_121 : vector<16xf32>
        %xor3A_123 = arith.constant 4 : i32
        %xor3A_124 = vector.broadcast %xor3A_123 : i32 to vector<16xi32>
        %xor3A_125 = arith.xori %iota3A, %xor3A_124 : vector<16xi32>
        %broadcast_in_dim3A_126 = vector.shape_cast %xor3A_125 : vector<16xi32> to vector<16x1xi32>
        %gather3A_127 = vector.shape_cast %broadcast_in_dim3A_126 : vector<16x1xi32> to vector<16xi32>
        %gather3A_128 = tpu.dynamic_gather %max3A_122[%gather3A_127] in [0] : vector<16xf32>, vector<16xi32> -> vector<16xf32>
        %max3A_129 = arith.maximumf %max3A_122, %gather3A_128 : vector<16xf32>
        %xor3A_130 = arith.constant 8 : i32
        %xor3A_131 = vector.broadcast %xor3A_130 : i32 to vector<16xi32>
        %xor3A_132 = arith.xori %iota3A, %xor3A_131 : vector<16xi32>
        %broadcast_in_dim3A_133 = vector.shape_cast %xor3A_132 : vector<16xi32> to vector<16x1xi32>
        %gather3A_134 = vector.shape_cast %broadcast_in_dim3A_133 : vector<16x1xi32> to vector<16xi32>
        %gather3A_135 = tpu.dynamic_gather %max3A_129[%gather3A_134] in [0] : vector<16xf32>, vector<16xi32> -> vector<16xf32>
        %max3A_136 = arith.maximumf %max3A_129, %gather3A_135 : vector<16xf32>
        %eq3A_137 = arith.cmpf oeq, %scan3A_110#0, %max3A_136 : vector<16xf32>
        %jit3A = arith.constant 1073741823 : i32
        %broadcast_in_dim3A_138 = vector.broadcast %jit3A : i32 to vector<16xi32>
        %select_n3A = arith.select %eq3A_137, %scan3A_110#1, %broadcast_in_dim3A_138 : vector<16xi1>, vector<16xi32>
        %xor3A_139 = arith.constant 1 : i32
        %xor3A_140 = vector.broadcast %xor3A_139 : i32 to vector<16xi32>
        %xor3A_141 = arith.xori %iota3A, %xor3A_140 : vector<16xi32>
        %broadcast_in_dim3A_142 = vector.shape_cast %xor3A_141 : vector<16xi32> to vector<16x1xi32>
        %gather3A_143 = vector.shape_cast %broadcast_in_dim3A_142 : vector<16x1xi32> to vector<16xi32>
        %gather3A_144 = tpu.dynamic_gather %select_n3A[%gather3A_143] in [0] : vector<16xi32>, vector<16xi32> -> vector<16xi32>
        %min3A = arith.minsi %select_n3A, %gather3A_144 : vector<16xi32>
        %xor3A_145 = arith.constant 2 : i32
        %xor3A_146 = vector.broadcast %xor3A_145 : i32 to vector<16xi32>
        %xor3A_147 = arith.xori %iota3A, %xor3A_146 : vector<16xi32>
        %broadcast_in_dim3A_148 = vector.shape_cast %xor3A_147 : vector<16xi32> to vector<16x1xi32>
        %gather3A_149 = vector.shape_cast %broadcast_in_dim3A_148 : vector<16x1xi32> to vector<16xi32>
        %gather3A_150 = tpu.dynamic_gather %min3A[%gather3A_149] in [0] : vector<16xi32>, vector<16xi32> -> vector<16xi32>
        %min3A_151 = arith.minsi %min3A, %gather3A_150 : vector<16xi32>
        %xor3A_152 = arith.constant 4 : i32
        %xor3A_153 = vector.broadcast %xor3A_152 : i32 to vector<16xi32>
        %xor3A_154 = arith.xori %iota3A, %xor3A_153 : vector<16xi32>
        %broadcast_in_dim3A_155 = vector.shape_cast %xor3A_154 : vector<16xi32> to vector<16x1xi32>
        %gather3A_156 = vector.shape_cast %broadcast_in_dim3A_155 : vector<16x1xi32> to vector<16xi32>
        %gather3A_157 = tpu.dynamic_gather %min3A_151[%gather3A_156] in [0] : vector<16xi32>, vector<16xi32> -> vector<16xi32>
        %min3A_158 = arith.minsi %min3A_151, %gather3A_157 : vector<16xi32>
        %xor3A_159 = arith.constant 8 : i32
        %xor3A_160 = vector.broadcast %xor3A_159 : i32 to vector<16xi32>
        %xor3A_161 = arith.xori %iota3A, %xor3A_160 : vector<16xi32>
        %broadcast_in_dim3A_162 = vector.shape_cast %xor3A_161 : vector<16xi32> to vector<16x1xi32>
        %gather3A_163 = vector.shape_cast %broadcast_in_dim3A_162 : vector<16x1xi32> to vector<16xi32>
        %gather3A_164 = tpu.dynamic_gather %min3A_158[%gather3A_163] in [0] : vector<16xi32>, vector<16xi32> -> vector<16xi32>
        %min3A_165 = arith.minsi %min3A_158, %gather3A_164 : vector<16xi32>
        %eq3A_166 = vector.broadcast %scan3A_98 : i32 to vector<16xi32>
        %eq3A_167 = arith.cmpi eq, %iota3A, %eq3A_166 : vector<16xi32>
        %select_n3A_168 = arith.select %eq3A_167, %min3A_165, %scan3A_99 : vector<16xi1>, vector<16xi32>
        %eq3A_169 = arith.cmpi eq, %scan3A_110#1, %min3A_165 : vector<16xi32>
        %and3A = arith.andi %eq3A_137, %eq3A_169 : vector<16xi1>
        %jit3A_170 = arith.constant 1073741823 : i32
        %broadcast_in_dim3A_171 = vector.broadcast %jit3A_170 : i32 to vector<16xi32>
        %select_n3A_172 = arith.select %and3A, %scan3A_110#2, %broadcast_in_dim3A_171 : vector<16xi1>, vector<16xi32>
        %xor3A_173 = arith.constant 1 : i32
        %xor3A_174 = vector.broadcast %xor3A_173 : i32 to vector<16xi32>
        %xor3A_175 = arith.xori %iota3A, %xor3A_174 : vector<16xi32>
        %broadcast_in_dim3A_176 = vector.shape_cast %xor3A_175 : vector<16xi32> to vector<16x1xi32>
        %gather3A_177 = vector.shape_cast %broadcast_in_dim3A_176 : vector<16x1xi32> to vector<16xi32>
        %gather3A_178 = tpu.dynamic_gather %select_n3A_172[%gather3A_177] in [0] : vector<16xi32>, vector<16xi32> -> vector<16xi32>
        %min3A_179 = arith.minsi %select_n3A_172, %gather3A_178 : vector<16xi32>
        %xor3A_180 = arith.constant 2 : i32
        %xor3A_181 = vector.broadcast %xor3A_180 : i32 to vector<16xi32>
        %xor3A_182 = arith.xori %iota3A, %xor3A_181 : vector<16xi32>
        %broadcast_in_dim3A_183 = vector.shape_cast %xor3A_182 : vector<16xi32> to vector<16x1xi32>
        %gather3A_184 = vector.shape_cast %broadcast_in_dim3A_183 : vector<16x1xi32> to vector<16xi32>
        %gather3A_185 = tpu.dynamic_gather %min3A_179[%gather3A_184] in [0] : vector<16xi32>, vector<16xi32> -> vector<16xi32>
        %min3A_186 = arith.minsi %min3A_179, %gather3A_185 : vector<16xi32>
        %xor3A_187 = arith.constant 4 : i32
        %xor3A_188 = vector.broadcast %xor3A_187 : i32 to vector<16xi32>
        %xor3A_189 = arith.xori %iota3A, %xor3A_188 : vector<16xi32>
        %broadcast_in_dim3A_190 = vector.shape_cast %xor3A_189 : vector<16xi32> to vector<16x1xi32>
        %gather3A_191 = vector.shape_cast %broadcast_in_dim3A_190 : vector<16x1xi32> to vector<16xi32>
        %gather3A_192 = tpu.dynamic_gather %min3A_186[%gather3A_191] in [0] : vector<16xi32>, vector<16xi32> -> vector<16xi32>
        %min3A_193 = arith.minsi %min3A_186, %gather3A_192 : vector<16xi32>
        %xor3A_194 = arith.constant 8 : i32
        %xor3A_195 = vector.broadcast %xor3A_194 : i32 to vector<16xi32>
        %xor3A_196 = arith.xori %iota3A, %xor3A_195 : vector<16xi32>
        %broadcast_in_dim3A_197 = vector.shape_cast %xor3A_196 : vector<16xi32> to vector<16x1xi32>
        %gather3A_198 = vector.shape_cast %broadcast_in_dim3A_197 : vector<16x1xi32> to vector<16xi32>
        %gather3A_199 = tpu.dynamic_gather %min3A_193[%gather3A_198] in [0] : vector<16xi32>, vector<16xi32> -> vector<16xi32>
        %min3A_200 = arith.minsi %min3A_193, %gather3A_199 : vector<16xi32>
        tpu.vector_store_idx %arg8[%min3A_200], %broadcast_in_dim3A_1 masked %eq3A_3 : memref<512xf32, #tpu.memory_space<vmem>>[vector<16xi32>], vector<16xf32>, vector<16xi1>
        scf.yield %select_n3A_168 : vector<16xi32>
      }
      %scan3A_85 = arith.constant 8 : i32
      %swap3A_86 = arith.constant 0 : index
      %swap3A_87 = tpu.vector_load %arg10[%swap3A_86] {strides = array<i32>} : memref<16xi32, #tpu.memory_space<vmem>>, vector<16xi32>,
      tpu.vector_store %arg10[%swap3A_86], %scan3A_84 {strides = array<i32>} : memref<16xi32, #tpu.memory_space<vmem>>, vector<16xi32>,
      %eq3A_88 = arith.constant 0 : i32
      %eq3A_89 = arith.cmpi eq, %arg0, %eq3A_88 : i32
      %convert_element_type3A_90 = arith.extui %eq3A_89 : i1 to i32
      %cond3A_91 = arith.constant 0 : i32
      %cond3A_92 = arith.cmpi ne, %convert_element_type3A_90, %cond3A_91 : i32
      scf.if %cond3A_92 {
        "tpu.region"() ({
          %run_scoped3A = tpu.sem_alloc : memref<!tpu.dma_semaphore, #tpu.memory_space<semaphore_mem>>
          %dma_start3A_98 = arith.constant 0 : i32
          %dma_start3A_99 = tpu.memref_slice %arg10[%dma_start3A_98] : memref<16xi32, #tpu.memory_space<vmem>> -> memref<8xi32, #tpu.memory_space<vmem>>
          %dma_start3A_100 = arith.constant 0 : i32
          %dma_start3A_101 = tpu.memref_slice %arg10[%dma_start3A_100] : memref<16xi32, #tpu.memory_space<vmem>> -> memref<8xi32, #tpu.memory_space<vmem>>
          tpu.enqueue_dma source(%dma_start3A_101 : memref<8xi32, #tpu.memory_space<vmem>>) target(%arg4 : memref<8xi32, #tpu.memory_space<hbm>>) target_semaphore(%run_scoped3A : memref<!tpu.dma_semaphore, #tpu.memory_space<semaphore_mem>>)
          %dma_wait3A_102 = arith.constant 0 : i32
          %dma_wait3A_103 = tpu.memref_slice %arg10[%dma_wait3A_102] : memref<16xi32, #tpu.memory_space<vmem>> -> memref<8xi32, #tpu.memory_space<vmem>>
          %dma_wait3A_104 = arith.constant 0 : i32
          %dma_wait3A_105 = tpu.memref_slice %arg10[%dma_wait3A_104] : memref<16xi32, #tpu.memory_space<vmem>> -> memref<8xi32, #tpu.memory_space<vmem>>
          tpu.wait_dma2 semaphore(%run_scoped3A : memref<!tpu.dma_semaphore, #tpu.memory_space<semaphore_mem>>) src(%dma_wait3A_105 : memref<8xi32, #tpu.memory_space<vmem>>) dst(%arg4 : memref<8xi32, #tpu.memory_space<hbm>>)
          tpu.yield
        }) : () -> ()
      } else {
      }
      %eq3A_93 = arith.constant 1 : i32
      %eq3A_94 = arith.cmpi eq, %arg0, %eq3A_93 : i32
      %convert_element_type3A_95 = arith.extui %eq3A_94 : i1 to i32
      %cond3A_96 = arith.constant 0 : i32
      %cond3A_97 = arith.cmpi ne, %convert_element_type3A_95, %cond3A_96 : i32
      scf.if %cond3A_97 {
        "tpu.region"() ({
          %run_scoped3A = tpu.sem_alloc : memref<!tpu.dma_semaphore, #tpu.memory_space<semaphore_mem>>
          %dma_start3A_98 = arith.constant 0 : i32
          %dma_start3A_99 = tpu.memref_slice %arg10[%dma_start3A_98] : memref<16xi32, #tpu.memory_space<vmem>> -> memref<8xi32, #tpu.memory_space<vmem>>
          %dma_start3A_100 = arith.constant 0 : i32
          %dma_start3A_101 = tpu.memref_slice %arg10[%dma_start3A_100] : memref<16xi32, #tpu.memory_space<vmem>> -> memref<8xi32, #tpu.memory_space<vmem>>
          tpu.enqueue_dma source(%dma_start3A_101 : memref<8xi32, #tpu.memory_space<vmem>>) target(%arg5 : memref<8xi32, #tpu.memory_space<hbm>>) target_semaphore(%run_scoped3A : memref<!tpu.dma_semaphore, #tpu.memory_space<semaphore_mem>>)
          %dma_wait3A_102 = arith.constant 0 : i32
          %dma_wait3A_103 = tpu.memref_slice %arg10[%dma_wait3A_102] : memref<16xi32, #tpu.memory_space<vmem>> -> memref<8xi32, #tpu.memory_space<vmem>>
          %dma_wait3A_104 = arith.constant 0 : i32
          %dma_wait3A_105 = tpu.memref_slice %arg10[%dma_wait3A_104] : memref<16xi32, #tpu.memory_space<vmem>> -> memref<8xi32, #tpu.memory_space<vmem>>
          tpu.wait_dma2 semaphore(%run_scoped3A : memref<!tpu.dma_semaphore, #tpu.memory_space<semaphore_mem>>) src(%dma_wait3A_105 : memref<8xi32, #tpu.memory_space<vmem>>) dst(%arg5 : memref<8xi32, #tpu.memory_space<hbm>>)
          tpu.yield
        }) : () -> ()
      } else {
      }
    } else {
    }
    return
  }
}

module attributes {stable_mosaic.version = 14 : i64} {
  func.func @softmax_tc(%arg0: memref<8192xf32, #tpu.memory_space<vmem>>, %arg1: memref<8192xf32, #tpu.memory_space<vmem>>, %arg2: memref<8192xf32, #tpu.memory_space<vmem>>, %arg3: memref<8192xf32, #tpu.memory_space<vmem>>) attributes {dimension_semantics = [], scalar_prefetch = 0 : i64, scratch_operands = 0 : i64, tpu.core_type = #tpu.core_type<tc>} {
    %get3A = arith.constant 0 : index
    %get3A_0 = vector.load %arg0[%get3A] : memref<8192xf32, #tpu.memory_space<vmem>>, vector<8192xf32>
    %reduce_max3A = vector.shape_cast %get3A_0 : vector<8192xf32> to vector<1x8192xf32>
    %reduce_max3A_1 = arith.constant dense<0xFF800000> : vector<1xf32>
    %reduce_max3A_2 = vector.multi_reduction <maximumf>, %reduce_max3A, %reduce_max3A_1 [1] : vector<1x8192xf32> to vector<1xf32>
    %reduce_max3A_3 = vector.shape_cast %reduce_max3A_2 : vector<1xf32> to vector<1x1xf32>
    %reduce_max3A_4 = vector.extract %reduce_max3A_3[0, 0] : f32 from vector<1x1xf32>
    %sub3A = vector.broadcast %reduce_max3A_4 : f32 to vector<8192xf32>
    %sub3A_5 = arith.subf %get3A_0, %sub3A : vector<8192xf32>
    %exp3A = math.exp %sub3A_5 : vector<8192xf32>
    %reduce_sum3A = vector.shape_cast %exp3A : vector<8192xf32> to vector<1x8192xf32>
    %reduce_sum3A_6 = arith.constant dense<0.000000e+00> : vector<1xf32>
    %reduce_sum3A_7 = vector.multi_reduction <add>, %reduce_sum3A, %reduce_sum3A_6 [1] : vector<1x8192xf32> to vector<1xf32>
    %reduce_sum3A_8 = vector.shape_cast %reduce_sum3A_7 : vector<1xf32> to vector<1x1xf32>
    %reduce_sum3A_9 = vector.extract %reduce_sum3A_8[0, 0] : f32 from vector<1x1xf32>
    %div3A = arith.constant 1.000000e+00 : f32
    %div3A_10 = arith.divf %div3A, %reduce_sum3A_9 : f32
    %mul3A = vector.broadcast %div3A_10 : f32 to vector<8192xf32>
    %mul3A_11 = arith.mulf %exp3A, %mul3A : vector<8192xf32>
    %swap3A = arith.constant 0 : index
    %swap3A_12 = vector.load %arg2[%swap3A] : memref<8192xf32, #tpu.memory_space<vmem>>, vector<8192xf32>
    tpu.vector_store %arg2[%swap3A], %mul3A_11 {strides = array<i32>} : memref<8192xf32, #tpu.memory_space<vmem>>, vector<8192xf32>,
    %get3A_13 = arith.constant 0 : index
    %get3A_14 = vector.load %arg1[%get3A_13] : memref<8192xf32, #tpu.memory_space<vmem>>, vector<8192xf32>
    %reduce_max3A_15 = vector.shape_cast %get3A_14 : vector<8192xf32> to vector<1x8192xf32>
    %reduce_max3A_16 = arith.constant dense<0xFF800000> : vector<1xf32>
    %reduce_max3A_17 = vector.multi_reduction <maximumf>, %reduce_max3A_15, %reduce_max3A_16 [1] : vector<1x8192xf32> to vector<1xf32>
    %reduce_max3A_18 = vector.shape_cast %reduce_max3A_17 : vector<1xf32> to vector<1x1xf32>
    %reduce_max3A_19 = vector.extract %reduce_max3A_18[0, 0] : f32 from vector<1x1xf32>
    %sub3A_20 = vector.broadcast %reduce_max3A_19 : f32 to vector<8192xf32>
    %sub3A_21 = arith.subf %get3A_14, %sub3A_20 : vector<8192xf32>
    %exp3A_22 = math.exp %sub3A_21 : vector<8192xf32>
    %reduce_sum3A_23 = vector.shape_cast %exp3A_22 : vector<8192xf32> to vector<1x8192xf32>
    %reduce_sum3A_24 = arith.constant dense<0.000000e+00> : vector<1xf32>
    %reduce_sum3A_25 = vector.multi_reduction <add>, %reduce_sum3A_23, %reduce_sum3A_24 [1] : vector<1x8192xf32> to vector<1xf32>
    %reduce_sum3A_26 = vector.shape_cast %reduce_sum3A_25 : vector<1xf32> to vector<1x1xf32>
    %reduce_sum3A_27 = vector.extract %reduce_sum3A_26[0, 0] : f32 from vector<1x1xf32>
    %div3A_28 = arith.constant 1.000000e+00 : f32
    %div3A_29 = arith.divf %div3A_28, %reduce_sum3A_27 : f32
    %mul3A_30 = vector.broadcast %div3A_29 : f32 to vector<8192xf32>
    %mul3A_31 = arith.mulf %exp3A_22, %mul3A_30 : vector<8192xf32>
    %swap3A_32 = arith.constant 0 : index
    %swap3A_33 = vector.load %arg3[%swap3A_32] : memref<8192xf32, #tpu.memory_space<vmem>>, vector<8192xf32>
    tpu.vector_store %arg3[%swap3A_32], %mul3A_31 {strides = array<i32>} : memref<8192xf32, #tpu.memory_space<vmem>>, vector<8192xf32>,
    return
  }
}

</mosaic_0001>

<sc_bundles>
// kernel: top8_sc.3.cloned.1.call-start
scs
__scs_entry_jumppad:
0x0: {  	(pc) =	sbr.rel $0x88, $3  }
0x1: {  	(tag) =	ssettag $0x0;
	lr =	simm.s32 $0x1  }
0x2: {  	[smem:$0x3F9F] =	sst lr;
	_ =	strace $0xD0000000  }
0x3: {  	_ = 	snop  }
0x4: {  	_ = 	snop  }
0x5: {  	_ = 	snop  }
0x6: {  	_ = 	snop  }
0x7: {  	_ = 	snop  }
__scs_overlays_trampoline_lowered:
0x8: {  	[smem:$0x3FAE] =	sst s0  }
0x9: {  	[smem:$0x3FAF] =	sst s1  }
0xa: {  	[smem:$0x3FB0] =	sst s2  }
0xb: {  	[smem:$0x3FB1] =	sst s3  }
0xc: {  	[smem:$0x3FB2] =	sst s4  }
0xd: {  	[smem:$0x3FB3] =	sst s5  }
0xe: {  	[smem:$0x3FB4] =	sst s6  }
0xf: {  	[smem:$0x3FB5] =	sst s7  }
0x10: {  	[smem:$0x3FB6] =	sst s8  }
0x11: {  	[smem:$0x3FB7] =	sst s9;
	s0 =	simm.s32 @!p0 $0x0  }
0x12: {  	s1 =	sld [smem:$0x3F9D];
	s0 =	simm.s32 @p0 $0x1  }
0x13: {  	[smem:$0x3FB8] =	sst s0;
	s0 =	simm.s32 @!p1 $0x0  }
0x14: {  	s2 =	sld [smem:$0x3F9C];
	s0 =	simm.s32 @p1 $0x1  }
0x15: {  	[smem:$0x3FB9] =	sst s0;
	s0 =	simm.s32 @!p2 $0x0  }
0x16: {  	s3 =	sld [smem:$0x3FDB];
	s0 =	simm.s32 @p2 $0x1  }
0x17: {  	s4 =	simm.s32 $0x1BF5;
	[smem:$0x3FBB] =	sst s0  }
0x18: {  	s0 =	sld [smem:$0x3F9E];
	_ =	swait.ge [sflag:s4], $0x0  }
0x19: {  	s7 =	sld [smem:$0x3F9F]  }
0x1a: {  	s8 =	sadd.s32 $0xFFFFE003, lr  }
0x1b: {  	s9 =	sadd.s32 $0xFFFFFEF7, lr;
	s5 =	simm.s32 $0xFFFFFFFF;
	p2 =	slt.u32 s8, $0xFFFFF086  }
0x1c: {  	p1 =	slt.u32 s9, $0xF7A;
	s5 =	simm.s32 @!p2 $0x0  }
0x1d: {  	s5 =	simm.s32 @p1 $0x1;
	p0 =	seq.s32 s7, s2  }
0x1e: {  	s7 =	smul.u32 @!p0 $0xF7A, s2;
	p2 =	seq.s32 @!p0 s5, $0x0  }
0x1f: {  	s9 =	smul.u32 $0xF7A, s1;
	s8 =	simm.s32 @!p0 $0x1BF5;
	p2 =	por !p2, p0  }
0x20: {  	[sflag:s8] =	ssyncset.s32 @!p0 $0xFFFFF086;
	s6 =	sadd.s32 @!p0 s3, s7;
	s7 =	simm.s32 @!p0 $0x108  }
0x21: {  	s3 =	sadd.s32 s3, s9;
	s6 =	sadd.s32 @!p0 $0x88, s6;
	s7 =	simm.s32 @p2 $0x1082  }
0x22: {  	[simem:s7], [sflag:s8] =	dma.local @!p0 [hbm:s6], $0xF7A  }
0x23: {  	s9 =	sor.u32 $0xD0000000, s2;
	s6 =	simm.s32 $0x108;
	_ =	swait.ge @!p0 [sflag:s8], $0x0  }
0x24: {  	s3 =	sadd.s32 $0x88, s3;
	s6 =	simm.s32 @!p1 $0x1082;
	[sflag:s4] =	ssyncset.s32 $0xFFFFF086  }
0x25: {  	[simem:s6], [sflag:s4] =	dma.local [hbm:s3], $0xF7A  }
0x26: {  	[smem:$0x3F9F] =	sst s1;
	(tag) =	ssettag s2;
	_ =	strace s9  }
0x27: {  	s1 =	sld [smem:$0x3FAF]  }
0x28: {  	s2 =	sld [smem:$0x3FB0]  }
0x29: {  	s4 =	sld [smem:$0x3FB2]  }
0x2a: {  	p0 =	seq.s32 s5, $0x0;
	s5 =	sld [smem:$0x3FB3]  }
0x2b: {  	s6 =	sld [smem:$0x3FB4]  }
0x2c: {  	s7 =	sld [smem:$0x3FB5]  }
0x2d: {  	s3 =	simm.s32 $0x108;
	s8 =	sld [smem:$0x3FB6]  }
0x2e: {  	s3 =	simm.s32 @!p0 $0x1082;
	s9 =	sld [smem:$0x3FB7]  }
0x2f: {  	lr =	sadd.s32 s0, s3;
	s0 =	sld [smem:$0x3FAE]  }
0x30: {  	s3 =	sld [smem:$0x3FB1]  }
0x31: {  	[smem:$0x3FBA] =	sst s10  }
0x32: {  	s10 =	sld [smem:$0x3FB8];
	_ =	sdelay $0x3  }
0x33: {  	p0 =	seq.s32 s10, $0x1;
	s10 =	sld [smem:$0x3FBA];
	_ =	sdelay $0x3  }
0x34: {  	[smem:$0x3FBA] =	sst s10  }
0x35: {  	s10 =	sld [smem:$0x3FB9];
	_ =	sdelay $0x3  }
0x36: {  	p1 =	seq.s32 s10, $0x1;
	s10 =	sld [smem:$0x3FBA];
	_ =	sdelay $0x3  }
0x37: {  	[smem:$0x3FBA] =	sst s10  }
0x38: {  	s10 =	sld [smem:$0x3FBB]  }
0x39: {  	_ = 	snop;
	(pc) =	sbr.ind lr, $3  }
0x3a: {  	_ = 	snop  }
0x3b: {  	_ = 	snop  }
0x3c: {  	p2 =	seq.s32 s10, $0x1;
	s10 =	sld [smem:$0x3FBA]  }
0x3d: {  	_ =	shalt  }
0x3e: {  	_ =	shalt  }
0x3f: {  	_ =	shalt  }
0x40: {  	_ =	shalt  }
0x41: {  	_ =	shalt  }
0x42: {  	_ =	shalt  }
0x43: {  	_ =	shalt  }
0x44: {  	_ =	shalt  }
0x45: {  	_ =	shalt  }
0x46: {  	_ =	shalt  }
0x47: {  	_ =	shalt  }
0x48: {  	_ =	shalt  }
0x49: {  	_ =	shalt  }
0x4a: {  	_ =	shalt  }
0x4b: {  	_ =	shalt  }
0x4c: {  	_ =	shalt  }
0x4d: {  	_ =	shalt  }
0x4e: {  	_ =	shalt  }
0x4f: {  	_ =	shalt  }
0x50: {  	_ =	shalt  }
0x51: {  	_ =	shalt  }
0x52: {  	_ =	shalt  }
0x53: {  	_ =	shalt  }
0x54: {  	_ =	shalt  }
0x55: {  	_ =	shalt  }
0x56: {  	_ =	shalt  }
0x57: {  	_ =	shalt  }
0x58: {  	_ =	shalt  }
0x59: {  	_ =	shalt  }
0x5a: {  	_ =	shalt  }
0x5b: {  	_ =	shalt  }
0x5c: {  	_ =	shalt  }
0x5d: {  	_ =	shalt  }
0x5e: {  	_ =	shalt  }
0x5f: {  	_ =	shalt  }
0x60: {  	_ =	shalt  }
0x61: {  	_ =	shalt  }
0x62: {  	_ =	shalt  }
0x63: {  	_ =	shalt  }
0x64: {  	_ =	shalt  }
0x65: {  	_ =	shalt  }
0x66: {  	_ =	shalt  }
0x67: {  	_ =	shalt  }
0x68: {  	_ =	shalt  }
0x69: {  	_ =	shalt  }
0x6a: {  	_ =	shalt  }
0x6b: {  	_ =	shalt  }
0x6c: {  	_ =	shalt  }
0x6d: {  	_ =	shalt  }
0x6e: {  	_ =	shalt  }
0x6f: {  	_ =	shalt  }
0x70: {  	_ =	shalt  }
0x71: {  	_ =	shalt  }
0x72: {  	_ =	shalt  }
0x73: {  	_ =	shalt  }
0x74: {  	_ =	shalt  }
0x75: {  	_ =	shalt  }
0x76: {  	_ =	shalt  }
0x77: {  	_ =	shalt  }
0x78: {  	_ =	shalt  }
0x79: {  	_ =	shalt  }
0x7a: {  	_ =	shalt  }
0x7b: {  	_ =	shalt  }
0x7c: {  	_ =	shalt  }
0x7d: {  	_ =	shalt  }
0x7e: {  	_ =	shalt  }
0x7f: {  	_ =	shalt  }
0x80: {  	_ =	shalt  }
0x81: {  	_ =	shalt  }
0x82: {  	_ =	shalt  }
0x83: {  	_ =	shalt  }
0x84: {  	_ =	shalt  }
0x85: {  	_ =	shalt  }
0x86: {  	_ =	shalt  }
0x87: {  	_ =	shalt  }
.Lfunc_end0:
.L_simem_size_0:
called_computation_lowered:
.L_overlay_start_0:
0x88: {  	s2 =	sld [smem:$0x3FD9]  }
0x89: {  	s3 =	sld [smem:$0x3FFE];
	_ =	sdelay $0x1  }
0x8a: {  	s1 =	srdreg.scid  }
0x8b: {  	s0 =	sand.u32 $0x1, s1  }
0x8c: {  	s15 =	sshll.u32 s0, $0xA;
	s2 =	sadd.s32 s3, s2  }
0x8d: {  	s2 =	sadd.s32 s2, s15  }
0x8e: {  	[smem:$0x3FC6] =	sst s2  }
0x8f: {  	_ = 	snop  }
0x90: {  	s2 =	sld [smem:$0x3FD0];
	_ =	sdelay $0x1  }
0x91: {  	s16 =	sld [smem:$0x3FC9]  }
0x92: {  	s5 =	simm.s32 $0xA;
	s6 =	simm.s32 $0x10;
	s4 =	sld [smem:$0x3FC8]  }
0x93: {  	[smem:s6], [sflag:s5] =	dma.local [hbm:s2], $0x1  }
0x94: {  	_ =	swait.eq [sflag:s5], $0x1  }
0x95: {  	[sflag:s5] =	ssyncset.done $0x0  }
0x96: {  	s17 =	sld [smem:$0x12];
	[sflag:s5] =	ssyncadd.s32 $0xFFFFFFFF  }
0x97: {  	s18 =	sld [smem:$0x13];
	(tm) =	ssettm $0x1  }
0x98: {  	s19 =	sld [smem:$0x3FFB];
	_ =	sdelay $0x3  }
0x99: {  	_ =	strace s19  }
0x9a: {  	s6 =	sld [smem:$0x3FFC];
	_ =	sdelay $0x3  }
0x9b: {  	_ =	strace s6  }
0x9c: {  	s6 =	sld [smem:$0x3FFD];
	_ =	sdelay $0x3  }
0x9d: {  	_ =	strace s6  }
0x9e: {  	_ =	strace $0x8FFFFFFF  }
0x9f: {  	s20 =	sld [smem:$0x3FDB];
	_ =	sdelay $0x1  }
0xa0: {  	s7 =	simm.s32 $_scs_section_size  }
0xa1: {  	s8 =	simm.s32 $_size__tile_overlayer_lowered;
	s9 =	simm.s32 $_tile_overlayer_lowered  }
0xa2: {  	s23 =	simm.s32 $0x1BFF;
	s22 =	sshll.u32 s9, $0x1;
	s6 =	sadd.s32 s7, s20  }
0xa3: {  	s10 =	simm.s32 $0x0;
	s21 =	sshll.u32 s8, $0x1;
	s8 =	sadd.s32 s22, s6  }
0xa4: {  	[timem:s10], [sflag:s23] =	dma.local [hbm:s8], s21  }
0xa5: {  	_ =	swait.ge [sflag:s23], s21  }
0xa6: {  	s7 =	ssub.s32 $0x0, s21;
	[sflag:s23] =	ssyncset.done $0x0  }
0xa7: {  	[sflag:s23] =	ssyncadd.s32 s7;
	_ =	sdelay $0x1  }
0xa8: {  	s24 =	simm.s32 $0x1B8B  }
0xa9: {  	_ =	swait.ge [sflag:s24], $0x1  }
0xaa: {  	[sflag:s24] =	ssyncset.done $0x0  }
0xab: {  	s25 =	simm.s32 $0x1B8E;
	[sflag:s24] =	ssyncadd.s32 $0xFFFFFFFF  }
0xac: {  	s26 =	simm.s32 $execute0_lowered;
	[smem:$0x3FD2] =	sst s25  }
0xad: {  	s7 =	sshll.u32 s26, $0x1;
	_ =	strace $0x80000046;
	[dreg:$0x1] =	wrdreg $0xFFFFFFFF  }
0xae: {  	s28 =	simm.s32 $_size_execute0_lowered;
	s6 =	sadd.s32 s6, s7;
	[dreg:$0x0] =	wrdreg $0x0  }
0xaf: {  	s7 =	sshll.u32 s28, $0x1;
	[dreg:$0x2] =	wrdreg s6  }
0xb0: {  	[dreg:$0x3] =	wrdreg s7  }
0xb1: {  	[dreg:$0x4] =	wrdreg $0xC0  }
0xb2: {  	_ =	task [dreg:s10], $0x5FFFF  }
0xb3: {  	[dreg:$0x1] =	wrdreg $0xFFFFFFFF  }
0xb4: {  	[dreg:$0x0] =	wrdreg $0x60  }
0xb5: {  	[dreg:$0x2] =	wrdreg s16  }
0xb6: {  	[dreg:$0x3] =	wrdreg s4  }
0xb7: {  	[dreg:$0x4] =	wrdreg s17  }
0xb8: {  	[dreg:$0x5] =	wrdreg s18  }
0xb9: {  	[dreg:$0x6] =	wrdreg $0x2000  }
0xba: {  	[dreg:$0x7] =	wrdreg $0x9  }
0xbb: {  	_ =	task.clear_ibuf [dreg:s10], $0x8FFFF;
	_ =	strace $0x90000046  }
0xbc: {  	s29 =	simm.s32 $0x9;
	_ =	strace $0x80000048  }
0xbd: {  	_ =	swait.ge [sflag:s29], $0x1  }
0xbe: {  	[sflag:s29] =	ssyncadd.s32 $0xFFFFFFFF  }
0xbf: {  	_ =	strace $0x90000048  }
0xc0: {  	_ =	sfence  }
0xc1: {  	s30 =	sld [smem:$0x0];
	_ =	sdelay $0x2  }
0xc2: {  	s31 =	sshll.u32 s1, $0xD;
	s1 =	sshrl.u32 s1, $0x2  }
0xc3: {  	s3 =	sand.u32 $0x4000, s31;
	s1 =	sadd.s32 s1, s30  }
0xc4: {  	s0 =	sor.u32 s3, s0;
	s1 =	sshll.u32 s1, $0x11  }
0xc5: {  	s0 =	sor.u32 s1, s0  }
0xc6: {  	s0 =	sadd.s32 $0x8F2B, s0  }
0xc7: {  	[sflag:s0] =	ssyncadd.remote.s32 $0x1  }
0xc8: {  	_ =	sfence.sel $0xFFFF  }
0xc9: {  	[dreg:$0x0] =	wrdreg $0xFFFFFFFF;
	(pc) =	sbr.abs _section_cstart, $3  }
0xca: {  	[dreg:$0x1] =	wrdreg $0xFFFFFFFF  }
0xcb: {  	_ =	task.clear_ibuf [dreg:s10], $0x2FFFF;
	_ =	strace $0x9FFFFFFF  }
0xcc: {  	(tm) =	ssettm $0x7FFFFFFF  }
0xcd: {  	_ =	shalt  }
tec
execute0_lowered:
.L_overlay_start_1:
0x0: {  	(tag) =	ssettag $0x1  }
0x1: {  	s0 =	rddreg [dreg:$0x0]  }
0x2: {  	s1 =	rddreg [dreg:$0x1]  }
0x3: {  	s2 =	rddreg [dreg:$0x2]  }
0x4: {  	v0 =	vimm.s32 $0xEFCDAB89;
	v1 =	vimm.s32 $0x67452301;
	s3 =	rddreg [dreg:$0x3]  }
0x5: {  	s5 =	rddreg [dreg:$0x4];
	v0 =	vunpack.c.l.s4.s8 v0;
	v1 =	vunpack.c.l.s4.s8 v1  }
0x6: {  	s7 =	srdreg.scid;
	v2 =	vimm.s32 $0xDCFE98BA;
	s4 =	rddreg [dreg:$0x5];
	s6 =	simm.s32 $0x0;
	v4 =	vimm.s32 $0x32107654  }
0x7: {  	s20 =	stileid.u32;
	v5 =	vimm.s32 $0xFEDCBA98;
	s11 =	simm.s32 $0x520;
	s12 =	simm.s32 $0x528;
	v0 =	vunpack.c.0.s8.s32 v0;
	v1 =	vunpack.c.0.s8.s32 v1  }
0x8: {  	v6 =	vimm.s32 $0x76543210;
	s14 =	simm.s32 $0x5A8;
	s15 =	simm.s32 $0x5;
	s16 =	simm.s32 $0x1;
	v2 =	vunpack.c.l.s4.s8 v2;
	v4 =	vunpack.c.l.s4.s8 v4  }
0x9: {  	s17 =	simm.s32 $0x2;
	s18 =	simm.s32 $0x3;
	s19 =	simm.s32 $0x4;
	v5 =	vunpack.c.l.s4.s8 v5;
	v6 =	vunpack.c.l.s4.s8 v6;
	v3 =	vcombine.low v1, v0  }
0xa: {  	s21 =	simm.s32 $0x220;
	s22 =	simm.s32 $0x4A0;
	s7 =	sand.u32 $0x1, s7;
	v0 =	vunpack.c.0.s8.s32 v2;
	v1 =	vimm.s32 $0x54761032;
	v2 =	vimm.s32 $0xBA98FEDC  }
0xb: {  	s23 =	simm.s32 $0x0;
	[smem:$0x7FF] =	sst s6;
	s8 =	ssub.s32 $0x2, s7;
	v5 =	vunpack.c.0.s8.s32 v5;
	v1 =	vunpack.c.l.s4.s8 v1;
	v2 =	vunpack.c.l.s4.s8 v2  }
0xc: {  	s13 =	sshll.u32 s20, $0x9;
	p0 =	seq.s32 s7, $0x0;
	s9 =	sshrl.u32 s8, $0x1;
	v4 =	vunpack.c.0.s8.s32 v4;
	v6 =	vunpack.c.0.s8.s32 v6  }
.Ltmp0:
0xd: {  	s8 =	ssub.s32 s8, s9;
	s9 =	smov.u32 s1;
	v5 =	vand.u32 $0xF, v5;
	v1 =	vunpack.c.0.s8.s32 v1;
	v2 =	vunpack.c.0.s8.s32 v2;
	(pc) =	sbr.rel .LBB2_1-.Ltmp0, $4  }
0xe: {  	s10 =	sshll.u32 s20, $0x6;
	s31 =	sshll.u32 s20, $0x5;
	s9 =	smov.u32 @p0 s0;
	v5 =	vcombine.low v5, v6  }
0xf: {  	_ =	strace $0x80000047;
	s9 =	sadd.s32 s9, s10;
	s10 =	smov.u32 s3;
	v7 =	vcombine.low v1, v0;
	v4 =	vcombine.low v4, v2  }
0x10: {  	s7 =	sadd.s32 s31, s5;
	s8 =	smax.u32 s8, $0x1;
	v6 =	vimm.f32 $-Inf;
	s10 =	smov.u32 @p0 s2;
	v0 =	vmov s13;
	v1 =	vlaneseq.u32  }
0x11: {  	p0 =	sne.s32 s20, $0x0;
	s20 =	simm.s32 $0x420;
	s13 =	simm.s32 $0x5A0;
	v2 =	vand.u32 $0xF, v3;
	v3 =	vand.u32 $0xF, v7;
	v4 =	vand.u32 $0xF, v4  }
.LBB2_11:
0x12: {  	s23 =	sadd.s32 $0x1, s23  }
0x13: {  	p1 =	sne.s32 s23, s8  }
.Ltmp1:
0x14: {  	_ = 	snop;
	(pc) =	sbr.rel @!p1 .LBB2_12-.Ltmp1, $1  }
0x15: {  	_ =	sdelay $0x3  }
.LBB2_1:
0x16: {  	[tilespmem:s11], [sflag:$0x1] =	stream.linear.gather [hbm4b:s2+s6], $0x8, $0x38;
	[tilespmem:$0x620] =	vst v63  }
0x17: {  	_ = 	snop  }
0x18: {  	[tilespmem:s12], [sflag:$0x2] =	stream.linear.gather [hbm4b:s3+s6], $0x8, $0x38;
	[tilespmem:$0x620] =	vst v63  }
0x19: {  	_ = 	snop  }
0x1a: {  	[tilespmem:s13], [sflag:$0x3] =	stream.linear.gather [hbm4b:s0+s6], $0x8, $0x38;
	[tilespmem:$0x620] =	vst v63  }
0x1b: {  	_ = 	snop  }
0x1c: {  	[tilespmem:s14], [sflag:$0x4] =	stream.linear.gather [hbm4b:s1+s6], $0x8, $0x38;
	[tilespmem:$0x620] =	vst v63  }
0x1d: {  	_ = 	snop  }
0x1e: {  	[tilespmem:s6], [sflag:$0x5] =	stream.linear.gather [hbm4b:s9+s6], $0x200, $0x38;
	[tilespmem:$0x620] =	vst v63  }
0x1f: {  	_ =	swait.ge [sflag:s15], $0x200  }
0x20: {  	[sflag:s15] =	ssyncset.done $0x0  }
0x21: {  	[sflag:s15] =	ssyncadd.s32 $0xFFFFFE00  }
0x22: {  	_ =	swait.ge [sflag:s16], $0x8  }
0x23: {  	[sflag:s16] =	ssyncset.done $0x0  }
0x24: {  	[sflag:s16] =	ssyncadd.s32 $0xFFFFFFF8  }
0x25: {  	_ =	swait.ge [sflag:s17], $0x8  }
0x26: {  	[sflag:s17] =	ssyncset.done $0x0  }
0x27: {  	[sflag:s17] =	ssyncadd.s32 $0xFFFFFFF8  }
0x28: {  	_ =	swait.ge [sflag:s18], $0x8  }
0x29: {  	[sflag:s18] =	ssyncset.done $0x0  }
0x2a: {  	[sflag:s18] =	ssyncadd.s32 $0xFFFFFFF8  }
0x2b: {  	_ =	swait.ge [sflag:s19], $0x8  }
0x2c: {  	[sflag:s19] =	ssyncset.done $0x0  }
0x2d: {  	v8 =	vimm.s32 $0x3FFFFFFF;
	v7 =	vimm.s32 $0x3FFFFFFF;
	v9 =	vimm.f32 $-Inf;
	s24 =	simm.s32 $0x0;
	[sflag:s19] =	ssyncadd.s32 $0xFFFFFFF8  }
.LBB2_2:
0x2e: {  	s25 =	simm.s32 $0x20  }
0x2f: {  	v11 =	vld [tilespmem:s25+$0xFFFFFFE0];
	_ =	sdelay $0x1  }
0x30: {  	v13 =	vld [tilespmem:s25+$0xFFFFFFF0];
	_ =	sdelay $0x1  }
0x31: {  	v12 =	vimm.f32 $-Inf;
	v10 =	vld [tilespmem:s25+$0x0]  }
0x32: {  	s26 =	simm.s32 $0x0;
	vm0 =	vgt.f32 v11, v12  }
0x33: {  	s28 =	simm.s32 $0x10;
	v14 =	vor.u32 s26, v1;
	v15 =	vsel vm0, v11, v12;
	v11 =	vld [tilespmem:s25+$0x10]  }
0x34: {  	v17 =	vor.u32 s28, v1;
	s28 =	simm.s32 $0x60;
	v16 =	vsel vm0, v14, v8;
	vm15 =	vgt.f32 v13, v15  }
0x35: {  	s29 =	simm.s32 $0x80;
	s30 =	simm.s32 $0x20;
	s25 =	simm.s32 $0x40;
	v12 =	vld [tilespmem:s28+$0xFFFFFFE0];
	v14 =	vsel vm15, v13, v15;
	v13 =	vsel vm15, v17, v16  }
.LBB2_3:
0x36: {  	p1 =	sne.s32 s29, $0x1C0;
	vm0 =	vgt.f32 v10, v14;
	v15 =	vor.u32 s30, v1  }
0x37: {  	s30 =	sadd.s32 $0x30, s26;
	s26 =	smov.u32 s25;
	s25 =	smov.u32 s29;
	v16 =	vld [tilespmem:s28+$0xFFFFFFF0];
	v14 =	vsel vm0, v10, v14;
	v13 =	vsel vm0, v15, v13  }
0x38: {  	v15 =	vor.u32 s30, v1;
	vm0 =	vgt.f32 v11, v14  }
.Ltmp2:
0x39: {  	v10 =	vld [tilespmem:s28+$0x0];
	v11 =	vsel vm0, v11, v14;
	v13 =	vsel vm0, v15, v13;
	(pc) =	sbr.rel @p1 .LBB2_3-.Ltmp2, $4  }
0x3a: {  	v14 =	vor.u32 s26, v1;
	vm0 =	vgt.f32 v12, v11  }
0x3b: {  	s30 =	sadd.s32 $0x10, s26;
	v15 =	vsel vm0, v12, v11;
	v13 =	vsel vm0, v14, v13;
	v11 =	vld [tilespmem:s28+$0x10]  }
0x3c: {  	v17 =	vor.u32 s30, v1;
	s28 =	sadd.s32 $0x40, s28;
	vm0 =	vgt.f32 v16, v15  }
0x3d: {  	s29 =	sadd.s32 $0x40, s29;
	s30 =	sadd.s32 $0x20, s26;
	v12 =	vld [tilespmem:s28+$0xFFFFFFE0];
	v14 =	vsel vm0, v16, v15;
	v13 =	vsel vm0, v17, v13  }
0x3e: {  	vm0 =	vgt.f32 v10, v14  }
0x3f: {  	v15 =	vld [tilespmem:s28+$0xFFFFFFF0];
	v10 =	vsel vm0, v10, v14  }
0x40: {  	vm1 =	vgt.f32 v11, v10  }
0x41: {  	v54 =	vld [tilespmem:s28+$0x0];
	v10 =	vsel vm1, v11, v10  }
0x42: {  	vm2 =	vgt.f32 v12, v10  }
0x43: {  	v11 =	vld [tilespmem:s28+$0x10];
	v10 =	vsel vm2, v12, v10  }
0x44: {  	vm3 =	vgt.f32 v15, v10  }
0x45: {  	v10 =	vsel vm3, v15, v10  }
0x46: {  	vm4 =	vgt.f32 v54, v10  }
0x47: {  	v10 =	vsel vm4, v54, v10  }
0x48: {  	vm5 =	vgt.f32 v11, v10  }
0x49: {  	v10 =	vsel vm5, v11, v10  }
0x4a: {  	v11 =	vperm.xlane v10, v2;
	_ =	sdelay $0x1  }
0x4b: {  	v11 =	vmax.f32 v10, v11  }
0x4c: {  	v55 =	vperm.xlane v11, v3;
	_ =	sdelay $0x1  }
0x4d: {  	v11 =	vmax.f32 v11, v55  }
0x4e: {  	v56 =	vor.u32 s30, v1;
	s26 =	sadd.s32 $0x30, s26;
	v57 =	vperm.xlane v11, v4  }
0x4f: {  	v58 =	vor.u32 s26, v1;
	v12 =	vsel vm0, v56, v13  }
0x50: {  	v59 =	vor.u32 s25, v1;
	s29 =	sadd.s32 $0x10, s25;
	v12 =	vsel vm1, v58, v12;
	v11 =	vmax.f32 v11, v57  }
0x51: {  	s30 =	sadd.s32 $0x20, s25;
	v60 =	vor.u32 s29, v1;
	v12 =	vsel vm2, v59, v12;
	v14 =	vperm.xlane v11, v5  }
0x52: {  	s31 =	sadd.s32 $0x30, s25;
	v61 =	vor.u32 s30, v1;
	v12 =	vsel vm3, v60, v12  }
0x53: {  	v62 =	vor.u32 s31, v1;
	v12 =	vsel vm4, v61, v12;
	v11 =	vmax.f32 v11, v14  }
0x54: {  	v12 =	vsel vm5, v62, v12;
	vm14 =	veq.f32 v10, v11  }
0x55: {  	v10 =	vnsel vm14, $0x3FFFFFFF, v12  }
0x56: {  	v12 =	vperm.xlane v10, v2;
	_ =	sdelay $0x1  }
0x57: {  	vm0 =	vlt.s32 v10, v12  }
0x58: {  	v10 =	vsel vm0, v10, v12  }
0x59: {  	v12 =	vperm.xlane v10, v3;
	_ =	sdelay $0x1  }
0x5a: {  	vm0 =	vlt.s32 v10, v12  }
0x5b: {  	v10 =	vsel vm0, v10, v12  }
0x5c: {  	v12 =	vperm.xlane v10, v4;
	_ =	sdelay $0x1  }
0x5d: {  	vm0 =	vlt.s32 v10, v12  }
0x5e: {  	v10 =	vsel vm0, v10, v12  }
0x5f: {  	v12 =	vperm.xlane v10, v5;
	_ =	sdelay $0x1  }
0x60: {  	v63 =	vmov s24;
	s24 =	sadd.s32 $0x1, s24;
	vm0 =	vlt.s32 v10, v12  }
0x61: {  	p1 =	sne.s32 s24, $0x8;
	v10 =	vsel vm0, v10, v12  }
.Ltmp3:
0x62: {  	_ = 	snop;
	(pc) =	sbr.rel @p1 .LBB2_2-.Ltmp3, $3  }
0x63: {  	_ =	sdelay $0x1  }
0x64: {  	vm15 =	veq.s32 v63, v1  }
0x65: {  	v9 =	vsel vm15, v11, v9;
	v7 =	vsel vm15, v10, v7;
	[tilespmem:v10+s6+$0x0] =	vst.idx.msk $0x1, v6  }
0x66: {  	[tilespmem:$0x420] =	vst v9;
	v7 =	vadd.s32 v0, v7  }
0x67: {  	[tilespmem:$0x430] =	vst v7  }
0x68: {  	[spmem:s7] =	stream.linear.scatter [tilespmem:s20], [sflag:$0x5], $0x20, $0x38;
	[tilespmem:$0x620] =	vst v63  }
0x69: {  	_ =	swait.ge [sflag:s15], $0x20  }
0x6a: {  	[sflag:s15] =	ssyncset.done $0x0  }
0x6b: {  	[sflag:s15] =	ssyncadd.s32 $0xFFFFFFE0  }
.Ltmp4:
0x6c: {  	[bflag:$0x0] =	sbarrier.arrive $0xFFFF;
	(pc) =	sbr.rel @p0 .LBB2_11-.Ltmp4, $4  }
0x6d: {  	[tilespmem:s21], [sflag:$0x5] =	stream.linear.gather [spmem:s5], $0x200, $0x38;
	[tilespmem:$0x620] =	vst v63  }
0x6e: {  	_ =	swait.ge [sflag:s15], $0x200  }
0x6f: {  	[sflag:s15] =	ssyncset.done $0x0  }
0x70: {  	[sflag:s15] =	ssyncadd.s32 $0xFFFFFE00  }
0x71: {  	s24 =	simm.s32 $0x0;
	v7 =	vimm.s32 $0x0;
	s25 =	simm.s32 $0x0  }
.LBB2_7:
0x72: {  	s28 =	simm.s32 $0x260  }
0x73: {  	v9 =	vld [tilespmem:s28+$0xFFFFFFC0]  }
0x74: {  	v10 =	vld [tilespmem:s28+$0xFFFFFFD0]  }
0x75: {  	v14 =	vld [tilespmem:s28+$0xFFFFFFE0]  }
0x76: {  	v16 =	vld [tilespmem:s28+$0xFFFFFFF0]  }
0x77: {  	v12 =	vimm.f32 $-Inf;
	v11 =	vld [tilespmem:s28+$0x0]  }
0x78: {  	v13 =	vimm.s32 $0x3FFFFFFF;
	s29 =	simm.s32 $0x20;
	v8 =	vld [tilespmem:s28+$0x10];
	vm0 =	vgt.f32 v9, v12  }
0x79: {  	v15 =	vor.u32 s24, v1;
	v19 =	vor.u32 s29, v1;
	v17 =	vsel vm0, v9, v12;
	v12 =	vld [tilespmem:s28+$0x20]  }
0x7a: {  	s26 =	simm.s32 $0x80;
	s29 =	simm.s32 $0x2E0;
	v10 =	vsel vm0, v10, v13;
	v18 =	vsel vm0, v15, v13;
	v9 =	vld [tilespmem:s28+$0x30];
	vm15 =	vgt.f32 v14, v17  }
0x7b: {  	s31 =	simm.s32 $0x100;
	s30 =	simm.s32 $0x40;
	v13 =	vld [tilespmem:s29+$0xFFFFFFC0];
	s28 =	simm.s32 $0x0;
	v15 =	vsel vm15, v14, v17;
	v14 =	vsel vm15, v16, v10;
	v10 =	vsel vm15, v19, v18  }
.LBB2_8:
0x7c: {  	p1 =	sne.s32 s31, $0x180;
	v16 =	vld [tilespmem:s29+$0xFFFFFFD0];
	vm0 =	vgt.f32 v11, v15;
	v17 =	vor.u32 s30, v1  }
0x7d: {  	s30 =	sadd.s32 $0x60, s28;
	s28 =	smov.u32 s26;
	s26 =	smov.u32 s31;
	v18 =	vld [tilespmem:s29+$0xFFFFFFE0];
	v15 =	vsel vm0, v11, v15;
	v8 =	vsel vm0, v8, v14;
	v10 =	vsel vm0, v17, v10  }
0x7e: {  	v17 =	vor.u32 s30, v1;
	v14 =	vld [tilespmem:s29+$0xFFFFFFF0];
	vm0 =	vgt.f32 v12, v15  }
.Ltmp5:
0x7f: {  	v11 =	vld [tilespmem:s29+$0x0];
	v12 =	vsel vm0, v12, v15;
	v9 =	vsel vm0, v9, v8;
	v10 =	vsel vm0, v17, v10;
	(pc) =	sbr.rel @p1 .LBB2_8-.Ltmp5, $4  }
0x80: {  	v15 =	vor.u32 s28, v1;
	vm0 =	vgt.f32 v13, v12;
	v8 =	vld [tilespmem:s29+$0x10]  }
0x81: {  	s30 =	sadd.s32 $0x20, s28;
	v17 =	vsel vm0, v13, v12;
	v16 =	vsel vm0, v16, v9;
	v10 =	vsel vm0, v15, v10;
	v12 =	vld [tilespmem:s29+$0x20]  }
0x82: {  	v19 =	vor.u32 s30, v1;
	vm0 =	vgt.f32 v18, v17;
	v9 =	vld [tilespmem:s29+$0x30];
	s29 =	sadd.s32 $0x80, s29  }
0x83: {  	s31 =	sadd.s32 $0x80, s31;
	s30 =	sadd.s32 $0x40, s28;
	v13 =	vld [tilespmem:s29+$0xFFFFFFC0];
	v15 =	vsel vm0, v18, v17;
	v14 =	vsel vm0, v14, v16;
	v10 =	vsel vm0, v19, v10  }
0x84: {  	vm3 =	vgt.f32 v11, v15  }
0x85: {  	v16 =	vld [tilespmem:s29+$0xFFFFFFE0];
	v11 =	vsel vm3, v11, v15  }
0x86: {  	vm4 =	vgt.f32 v12, v11  }
0x87: {  	v46 =	vld [tilespmem:s29+$0x0];
	v11 =	vsel vm4, v12, v11  }
0x88: {  	vm5 =	vgt.f32 v13, v11  }
0x89: {  	v47 =	vld [tilespmem:s29+$0x20];
	v11 =	vsel vm5, v13, v11  }
0x8a: {  	vm2 =	vgt.f32 v16, v11  }
0x8b: {  	v11 =	vsel vm2, v16, v11  }
0x8c: {  	vm1 =	vgt.f32 v46, v11  }
0x8d: {  	v11 =	vsel vm1, v46, v11  }
0x8e: {  	vm0 =	vgt.f32 v47, v11  }
0x8f: {  	v11 =	vsel vm0, v47, v11  }
0x90: {  	v12 =	vperm.xlane v11, v2;
	_ =	sdelay $0x1  }
0x91: {  	v12 =	vmax.f32 v11, v12  }
0x92: {  	v48 =	vperm.xlane v12, v3  }
0x93: {  	v49 =	vld [tilespmem:s29+$0xFFFFFFD0]  }
0x94: {  	v50 =	vld [tilespmem:s29+$0xFFFFFFF0];
	v12 =	vmax.f32 v12, v48  }
0x95: {  	v51 =	vld [tilespmem:s29+$0x10];
	v17 =	vperm.xlane v12, v4  }
0x96: {  	v52 =	vld [tilespmem:s29+$0x30];
	v8 =	vsel vm3, v8, v14  }
0x97: {  	v8 =	vsel vm4, v9, v8;
	v53 =	vmax.f32 v12, v17  }
0x98: {  	v8 =	vsel vm5, v49, v8;
	v12 =	vperm.xlane v53, v5  }
0x99: {  	v8 =	vsel vm2, v50, v8  }
0x9a: {  	v8 =	vsel vm1, v51, v8;
	v9 =	vmax.f32 v53, v12  }
0x9b: {  	v8 =	vsel vm0, v52, v8;
	vm6 =	veq.f32 v11, v9  }
0x9c: {  	v9 =	vnsel vm6, $0x3FFFFFFF, v8  }
0x9d: {  	v54 =	vperm.xlane v9, v2;
	_ =	sdelay $0x1  }
0x9e: {  	vm7 =	vlt.s32 v9, v54  }
0x9f: {  	v9 =	vsel vm7, v9, v54  }
0xa0: {  	v11 =	vperm.xlane v9, v3;
	_ =	sdelay $0x1  }
0xa1: {  	vm7 =	vlt.s32 v9, v11  }
0xa2: {  	v9 =	vsel vm7, v9, v11  }
0xa3: {  	v11 =	vperm.xlane v9, v4;
	_ =	sdelay $0x1  }
0xa4: {  	vm7 =	vlt.s32 v9, v11  }
0xa5: {  	v55 =	vor.u32 s30, v1;
	s28 =	sadd.s32 $0x60, s28;
	v9 =	vsel vm7, v9, v11  }
0xa6: {  	v10 =	vsel vm3, v55, v10;
	v56 =	vor.u32 s28, v1;
	v57 =	vperm.xlane v9, v5  }
0xa7: {  	v58 =	vor.u32 s26, v1;
	s29 =	sadd.s32 $0x20, s26;
	v10 =	vsel vm4, v56, v10  }
0xa8: {  	s30 =	sadd.s32 $0x40, s26;
	v59 =	vor.u32 s29, v1;
	v10 =	vsel vm5, v58, v10;
	vm12 =	vlt.s32 v9, v57  }
0xa9: {  	s31 =	sadd.s32 $0x60, s26;
	v60 =	vor.u32 s30, v1;
	v10 =	vsel vm2, v59, v10;
	v9 =	vsel vm12, v9, v57  }
0xaa: {  	v61 =	vor.u32 s31, v1;
	v10 =	vsel vm1, v60, v10;
	vm13 =	veq.s32 v8, v9  }
0xab: {  	v8 =	vsel vm0, v61, v10;
	vm14 =	vmand vm6, vm13  }
0xac: {  	v8 =	vnsel vm14, $0x3FFFFFFF, v8  }
0xad: {  	v62 =	vperm.xlane v8, v2;
	_ =	sdelay $0x1  }
0xae: {  	vm0 =	vlt.s32 v8, v62  }
0xaf: {  	v8 =	vsel vm0, v8, v62  }
0xb0: {  	v10 =	vperm.xlane v8, v3;
	_ =	sdelay $0x1  }
0xb1: {  	vm0 =	vlt.s32 v8, v10  }
0xb2: {  	v8 =	vsel vm0, v8, v10  }
0xb3: {  	v10 =	vperm.xlane v8, v4;
	_ =	sdelay $0x1  }
0xb4: {  	vm0 =	vlt.s32 v8, v10  }
0xb5: {  	v8 =	vsel vm0, v8, v10  }
0xb6: {  	v10 =	vperm.xlane v8, v5;
	_ =	sdelay $0x1  }
0xb7: {  	v63 =	vmov s25;
	s25 =	sadd.s32 $0x1, s25;
	vm0 =	vlt.s32 v8, v10  }
0xb8: {  	p1 =	sne.s32 s25, $0x8;
	v8 =	vsel vm0, v8, v10  }
.Ltmp6:
0xb9: {  	_ = 	snop;
	(pc) =	sbr.rel @p1 .LBB2_7-.Ltmp6, $3  }
0xba: {  	_ =	sdelay $0x1  }
0xbb: {  	vm15 =	veq.s32 v63, v1  }
0xbc: {  	v7 =	vsel vm15, v9, v7;
	[tilespmem:v8+s21+$0x0] =	vst.idx.msk $0x1, v6  }
.Ltmp7:
0xbd: {  	[tilespmem:$0x4A0] =	vst v7;
	(pc) =	sbr.rel .LBB2_11-.Ltmp7, $4  }
0xbe: {  	[hbm4b:s10+s6] =	stream.linear.scatter [tilespmem:s22], [sflag:$0x5], $0x8, $0x38;
	[tilespmem:$0x620] =	vst v63  }
0xbf: {  	_ =	swait.ge [sflag:s15], $0x8  }
0xc0: {  	[sflag:s15] =	ssyncset.done $0x0  }
0xc1: {  	[sflag:s15] =	ssyncadd.s32 $0xFFFFFFF8  }
.LBB2_12:
0xc2: {  	_ =	sfence.sel $0x180000  }
0xc3: {  	[bflag:$0x0] =	sbarrier.arrive $0xFFFF  }
0xc4: {  	_ =	strace $0x90000047  }
0xc5: {  	s0 =	sadd.s32 @!p0 $0x100000, s4;
	[bflag:$0x2] =	sbarrier.arrive $0xFFFF  }
0xc6: {  	[sflag:s0] =	ssyncadd.tile.s32 @!p0 $0x1;
	_ =	shalt  }
.Lfunc_end2:
_tile_overlayer_lowered:
.L_overlay_start_2:
0xc7: {  	(tag) =	ssettag $0x2  }
0xc8: {  	s0 =	rddreg [dreg:$0x0];
	s2 =	stileid.u32  }
0xc9: {  	s1 =	rddreg [dreg:$0x1];
	p0 =	sne.s32 s2, $0x0  }
0xca: {  	s3 =	rddreg [dreg:$0x2];
	[bflag:$0x3] =	sbarrier.arrive $0xFFFF;
	s2 =	simm.s32 @!p0 $0x1C05  }
0xcb: {  	[timem:s3], [sflag:s2] =	dma.local @!p0 [hbm:s0], s1  }
0xcc: {  	s0 =	simm.s32 @!p0 $0x5  }
0xcd: {  	_ =	swait.ge @!p0 [sflag:s0], s1  }
0xce: {  	s1 =	ssub.s32 @!p0 $0x0, s1;
	[sflag:s0] =	ssyncset.done @!p0 $0x0  }
0xcf: {  	[sflag:s0] =	ssyncadd.s32 @!p0 s1  }
0xd0: {  	[bflag:$0x3] =	sbarrier.arrive $0xFFFF  }
0xd1: {  	_ =	shalt  }

</sc_bundles>
